<compile_context>
chip_gen: v7x
topology: tpu7x:2x2x1
jax: 0.10.2.dev20260603
libtpu: 0.0.44.dev20260713+nightly
codegen_flags: <defaults>
</compile_context>

<pallas_src>
import functools

import jax
import jax.numpy as jnp
from jax import lax
from jax.experimental import pallas as pl
from jax.experimental.pallas import tpu as pltpu
from jax.experimental.pallas import tpu_sc as plsc

_NC = 2
_NS = 16
_NW = _NC * _NS
_L = 16

_R_SC = 4352


def _sc_body(x_hbm, tab_hbm, o_hbm, tabv, buf, *, row_lo, per_w, ch, b):
    c = lax.axis_index("c")
    s = lax.axis_index("s")
    wid = s * _NC + c
    row0 = row_lo + wid * per_w
    nch = per_w // ch
    nvec = b // _L
    pltpu.sync_copy(tab_hbm.at[pl.ds(row0, per_w)], tabv)

    def chunk(j, carry):
        base = row0 + j * ch
        pltpu.sync_copy(x_hbm.at[pl.ds(base, ch)], buf)
        for srow in range(ch):
            tsp = jnp.reshape(tabv[pl.ds(j * ch + srow, 1), :], (_L,))

            def vec(k, carry2):
                for u in range(8):
                    off = (k * 8 + u) * _L
                    buf[srow, pl.ds(off, _L)] = buf[srow, pl.ds(off, _L)] + tsp
                return carry2

            lax.fori_loop(0, nvec // 8, vec, 0)
        pltpu.sync_copy(buf, o_hbm.at[pl.ds(base - row_lo, ch)])
        return carry

    lax.fori_loop(0, nch, chunk, 0)


def _sc_add(x, tab16, row_lo, rows):
    R, B = x.shape
    per_w = rows // _NW
    ch = 8
    mesh = plsc.VectorSubcoreMesh(core_axis_name="c", subcore_axis_name="s")
    return pl.kernel(
        functools.partial(_sc_body, row_lo=row_lo, per_w=per_w, ch=ch, b=B),
        out_type=jax.ShapeDtypeStruct((rows, B), jnp.float32),
        mesh=mesh,
        scratch_types=[
            pltpu.VMEM((per_w, _L), jnp.float32),
            pltpu.VMEM((ch, B), jnp.float32),
        ],
    )(x, tab16)


def _tc_body(x_ref, t_ref, o_ref):
    o_ref[...] = x_ref[...] + t_ref[:, 0:1]


def _tc_add(x, tab16, rows):
    R, B = x.shape
    BR = 64
    grid = (rows // BR,)
    return pl.pallas_call(
        _tc_body,
        grid=grid,
        in_specs=[
            pl.BlockSpec((BR, B), lambda i: (i, 0)),
            pl.BlockSpec((BR, _L), lambda i: (i, 0)),
        ],
        out_specs=pl.BlockSpec((BR, B), lambda i: (i, 0)),
        out_shape=jax.ShapeDtypeStruct((rows, B), jnp.float32),
        compiler_params=pltpu.CompilerParams(
            dimension_semantics=("arbitrary",),
        ),
    )(x[:rows], tab16[:rows])


def kernel(inputs, lookup_table):
    B, T, U = inputs.shape
    scale = float(U) ** 0.5
    R = T * U
    x = jnp.transpose(inputs, (1, 2, 0)).reshape(R, B)
    tab16 = jnp.broadcast_to(
        (lookup_table.reshape(R) * scale)[:, None], (R, _L)
    )
    r_tc = R - _R_SC
    out_sc = _sc_add(x, tab16, r_tc, _R_SC)
    out_tc = _tc_add(x, tab16, r_tc)
    out = jnp.concatenate([out_tc, out_sc], axis=0)
    return jnp.transpose(out.reshape(T, U, B), (2, 0, 1))

# --- scband reference (transcript-rebuilt; emitter-appended) ---
"""Pipeline reference for scband-position-encoding-5171140624904 (READ-ONLY COPY).

The authoritative reference and input builder live on the scoring server;
editing this copy changes nothing except your own understanding.
"""

import jax, jax.numpy as jnp
import numpy as np

T = 200
NUM_UNITS = 64
BATCH = 4096

def _sinusoidal_table(T, num_units, zero_pad=False):
    position_enc = np.array([[pos / np.power(10000, 2.0 * (i // 2) / num_units) for i in range(num_units)] for pos in range(T)])
    position_enc[:, 0::2] = np.sin(position_enc[:, 0::2])
    position_enc[:, 1::2] = np.cos(position_enc[:, 1::2])
    if zero_pad:
        position_enc[0, :] = np.zeros(num_units)
    return position_enc.astype(np.float32)

def setup_inputs(seed: int = 0) -> dict:
    key = jax.random.key(seed)
    k1, _ = jax.random.split(key)
    inputs = jax.random.normal(k1, (BATCH, T, NUM_UNITS), dtype=jnp.float32)
    lookup_table = jnp.asarray(_sinusoidal_table(T, NUM_UNITS, zero_pad=False))
    return {"inputs": inputs, "lookup_table": lookup_table}

def reference(inputs, lookup_table):
    B, T_, num_units = inputs.shape
    position_ind = jnp.expand_dims(jnp.arange(T_), 0)  # [1, T]
    outputs = jnp.take(lookup_table, position_ind, axis=0)  # [1, T, num_units]
    scale = True
    if scale:
        outputs = outputs * (num_units ** 0.5)
    return outputs + inputs

if __name__ == "__main__":
    import jax
    _d = setup_inputs()
    print(jax.jit(kernel)(*tuple(_d.values())))

</pallas_src>

<mosaic_0001>
#map = affine_map<(d0, d1) -> (0, 0)>
module attributes {stable_mosaic.version = 14 : i64} {
  func.func @_sc_body(%arg0: i32, %arg1: i32, %arg2: memref<12800x4096xf32, #tpu.memory_space<hbm>>, %arg3: memref<12800x16xf32, #tpu.memory_space<hbm>>, %arg4: memref<4352x4096xf32, #tpu.memory_space<hbm>>, %arg5: memref<136x16xf32, #tpu.memory_space<vmem>>, %arg6: memref<8x4096xf32, #tpu.memory_space<vmem>>) attributes {dimension_semantics = [#tpu.dimension_semantics<core_parallel>, #tpu.dimension_semantics<subcore_parallel>], iteration_bounds = array<i64: 2, 16>, scalar_prefetch = 0 : i64, scratch_operands = 2 : i64, tpu.core_type = #tpu.core_type<sc_vector_subcore>, window_params = [{transform_indices = #map}, {transform_indices = #map}, {transform_indices = #map}]} {
    %mul3A = arith.constant 2 : i32
    %mul3A_0 = arith.muli %arg1, %mul3A : i32
    %add3A = arith.addi %mul3A_0, %arg0 : i32
    %mul3A_1 = arith.constant 136 : i32
    %mul3A_2 = arith.muli %add3A, %mul3A_1 : i32
    %add3A_3 = arith.constant 8448 : i32
    %add3A_4 = arith.addi %add3A_3, %mul3A_2 : i32
    "tpu.region"() ({
      %run_scoped3A = tpu.sem_alloc : memref<!tpu.dma_semaphore, #tpu.memory_space<semaphore_mem>>
      %dma_start3A = arith.constant 0 : i32
      %dma_start3A_10 = tpu.memref_slice %arg3[%add3A_4, %dma_start3A] : memref<12800x16xf32, #tpu.memory_space<hbm>> -> memref<136x16xf32, #tpu.memory_space<hbm>>
      %dma_start3A_11 = arith.constant 0 : i32
      %dma_start3A_12 = tpu.memref_slice %arg3[%add3A_4, %dma_start3A_11] : memref<12800x16xf32, #tpu.memory_space<hbm>> -> memref<136x16xf32, #tpu.memory_space<hbm>>
      tpu.enqueue_dma source(%dma_start3A_12 : memref<136x16xf32, #tpu.memory_space<hbm>>) target(%arg5 : memref<136x16xf32, #tpu.memory_space<vmem>>) target_semaphore(%run_scoped3A : memref<!tpu.dma_semaphore, #tpu.memory_space<semaphore_mem>>)
      %dma_wait3A = arith.constant 0 : i32
      %dma_wait3A_13 = tpu.memref_slice %arg3[%add3A_4, %dma_wait3A] : memref<12800x16xf32, #tpu.memory_space<hbm>> -> memref<136x16xf32, #tpu.memory_space<hbm>>
      %dma_wait3A_14 = arith.constant 0 : i32
      %dma_wait3A_15 = tpu.memref_slice %arg3[%add3A_4, %dma_wait3A_14] : memref<12800x16xf32, #tpu.memory_space<hbm>> -> memref<136x16xf32, #tpu.memory_space<hbm>>
      tpu.wait_dma2 semaphore(%run_scoped3A : memref<!tpu.dma_semaphore, #tpu.memory_space<semaphore_mem>>) src(%dma_wait3A_15 : memref<136x16xf32, #tpu.memory_space<hbm>>) dst(%arg5 : memref<136x16xf32, #tpu.memory_space<vmem>>)
      tpu.yield
    }) : () -> ()
    %scan3A = arith.constant 0 : i32
    %scan3A_5 = arith.constant 0 : i32
    %scan3A_6 = arith.constant 17 : i32
    %scan3A_7 = arith.addi %scan3A_5, %scan3A_6 : i32
    %scan3A_8 = arith.constant 1 : i32
    scf.for %scan3A_10 = %scan3A_5 to %scan3A_7 step %scan3A_8  : i32 {
      %mul3A_11 = arith.constant 8 : i32
      %mul3A_12 = arith.muli %scan3A_10, %mul3A_11 : i32
      %add3A_13 = arith.addi %add3A_4, %mul3A_12 : i32
      "tpu.region"() ({
        %run_scoped3A = tpu.sem_alloc : memref<!tpu.dma_semaphore, #tpu.memory_space<semaphore_mem>>
        %dma_start3A = arith.constant 0 : i32
        %dma_start3A_133 = tpu.memref_slice %arg2[%add3A_13, %dma_start3A] : memref<12800x4096xf32, #tpu.memory_space<hbm>> -> memref<8x4096xf32, #tpu.memory_space<hbm>>
        %dma_start3A_134 = arith.constant 0 : i32
        %dma_start3A_135 = tpu.memref_slice %arg2[%add3A_13, %dma_start3A_134] : memref<12800x4096xf32, #tpu.memory_space<hbm>> -> memref<8x4096xf32, #tpu.memory_space<hbm>>
        tpu.enqueue_dma source(%dma_start3A_135 : memref<8x4096xf32, #tpu.memory_space<hbm>>) target(%arg6 : memref<8x4096xf32, #tpu.memory_space<vmem>>) target_semaphore(%run_scoped3A : memref<!tpu.dma_semaphore, #tpu.memory_space<semaphore_mem>>)
        %dma_wait3A = arith.constant 0 : i32
        %dma_wait3A_136 = tpu.memref_slice %arg2[%add3A_13, %dma_wait3A] : memref<12800x4096xf32, #tpu.memory_space<hbm>> -> memref<8x4096xf32, #tpu.memory_space<hbm>>
        %dma_wait3A_137 = arith.constant 0 : i32
        %dma_wait3A_138 = tpu.memref_slice %arg2[%add3A_13, %dma_wait3A_137] : memref<12800x4096xf32, #tpu.memory_space<hbm>> -> memref<8x4096xf32, #tpu.memory_space<hbm>>
        tpu.wait_dma2 semaphore(%run_scoped3A : memref<!tpu.dma_semaphore, #tpu.memory_space<semaphore_mem>>) src(%dma_wait3A_138 : memref<8x4096xf32, #tpu.memory_space<hbm>>) dst(%arg6 : memref<8x4096xf32, #tpu.memory_space<vmem>>)
        tpu.yield
      }) : () -> ()
      %mul3A_14 = arith.constant 8 : i32
      %mul3A_15 = arith.muli %scan3A_10, %mul3A_14 : i32
      %add3A_16 = arith.constant 0 : i32
      %add3A_17 = arith.addi %mul3A_15, %add3A_16 : i32
      %get3A = arith.index_cast %add3A_17 : i32 to index
      %get3A_18 = arith.constant 0 : index
      %get3A_19 = tpu.vector_load %arg5[%get3A, %get3A_18] {strides = array<i32>} : memref<136x16xf32, #tpu.memory_space<vmem>>, vector<1x16xf32>,
      %get3A_20 = vector.shape_cast %get3A_19 : vector<1x16xf32> to vector<1x16xf32>
      %reshape3A = vector.shape_cast %get3A_20 : vector<1x16xf32> to vector<16xf32>
      %scan3A_21 = arith.constant 0 : i32
      %scan3A_22 = arith.constant 0 : i32
      %scan3A_23 = arith.constant 32 : i32
      %scan3A_24 = arith.addi %scan3A_22, %scan3A_23 : i32
      %scan3A_25 = arith.constant 1 : i32
      scf.for %scan3A_133 = %scan3A_22 to %scan3A_24 step %scan3A_25  : i32 {
        %mul3A_134 = arith.constant 8 : i32
        %mul3A_135 = arith.muli %scan3A_133, %mul3A_134 : i32
        %add3A_136 = arith.constant 0 : i32
        %add3A_137 = arith.addi %mul3A_135, %add3A_136 : i32
        %mul3A_138 = arith.constant 16 : i32
        %mul3A_139 = arith.muli %add3A_137, %mul3A_138 : i32
        %get3A_140 = arith.constant 0 : i32
        %get3A_141 = arith.index_cast %get3A_140 : i32 to index
        %get3A_142 = arith.index_cast %mul3A_139 : i32 to index
        %get3A_143 = tpu.vector_load %arg6[%get3A_141, %get3A_142] {strides = array<i32>} : memref<8x4096xf32, #tpu.memory_space<vmem>>, vector<1x16xf32>,
        %get3A_144 = vector.shape_cast %get3A_143 : vector<1x16xf32> to vector<16xf32>
        %add3A_145 = arith.addf %get3A_144, %reshape3A : vector<16xf32>
        %swap3A = arith.constant 0 : i32
        %swap3A_146 = arith.index_cast %swap3A : i32 to index
        %swap3A_147 = arith.index_cast %mul3A_139 : i32 to index
        %swap3A_148 = tpu.vector_load %arg6[%swap3A_146, %swap3A_147] {strides = array<i32>} : memref<8x4096xf32, #tpu.memory_space<vmem>>, vector<1x16xf32>,
        %swap3A_149 = vector.shape_cast %swap3A_148 : vector<1x16xf32> to vector<16xf32>
        %swap3A_150 = vector.shape_cast %add3A_145 : vector<16xf32> to vector<1x16xf32>
        tpu.vector_store %arg6[%swap3A_146, %swap3A_147], %swap3A_150 {strides = array<i32>} : memref<8x4096xf32, #tpu.memory_space<vmem>>, vector<1x16xf32>,
        %mul3A_151 = arith.constant 8 : i32
        %mul3A_152 = arith.muli %scan3A_133, %mul3A_151 : i32
        %add3A_153 = arith.constant 1 : i32
        %add3A_154 = arith.addi %mul3A_152, %add3A_153 : i32
        %mul3A_155 = arith.constant 16 : i32
        %mul3A_156 = arith.muli %add3A_154, %mul3A_155 : i32
        %get3A_157 = arith.constant 0 : i32
        %get3A_158 = arith.index_cast %get3A_157 : i32 to index
        %get3A_159 = arith.index_cast %mul3A_156 : i32 to index
        %get3A_160 = tpu.vector_load %arg6[%get3A_158, %get3A_159] {strides = array<i32>} : memref<8x4096xf32, #tpu.memory_space<vmem>>, vector<1x16xf32>,
        %get3A_161 = vector.shape_cast %get3A_160 : vector<1x16xf32> to vector<16xf32>
        %add3A_162 = arith.addf %get3A_161, %reshape3A : vector<16xf32>
        %swap3A_163 = arith.constant 0 : i32
        %swap3A_164 = arith.index_cast %swap3A_163 : i32 to index
        %swap3A_165 = arith.index_cast %mul3A_156 : i32 to index
        %swap3A_166 = tpu.vector_load %arg6[%swap3A_164, %swap3A_165] {strides = array<i32>} : memref<8x4096xf32, #tpu.memory_space<vmem>>, vector<1x16xf32>,
        %swap3A_167 = vector.shape_cast %swap3A_166 : vector<1x16xf32> to vector<16xf32>
        %swap3A_168 = vector.shape_cast %add3A_162 : vector<16xf32> to vector<1x16xf32>
        tpu.vector_store %arg6[%swap3A_164, %swap3A_165], %swap3A_168 {strides = array<i32>} : memref<8x4096xf32, #tpu.memory_space<vmem>>, vector<1x16xf32>,
        %mul3A_169 = arith.constant 8 : i32
        %mul3A_170 = arith.muli %scan3A_133, %mul3A_169 : i32
        %add3A_171 = arith.constant 2 : i32
        %add3A_172 = arith.addi %mul3A_170, %add3A_171 : i32
        %mul3A_173 = arith.constant 16 : i32
        %mul3A_174 = arith.muli %add3A_172, %mul3A_173 : i32
        %get3A_175 = arith.constant 0 : i32
        %get3A_176 = arith.index_cast %get3A_175 : i32 to index
        %get3A_177 = arith.index_cast %mul3A_174 : i32 to index
        %get3A_178 = tpu.vector_load %arg6[%get3A_176, %get3A_177] {strides = array<i32>} : memref<8x4096xf32, #tpu.memory_space<vmem>>, vector<1x16xf32>,
        %get3A_179 = vector.shape_cast %get3A_178 : vector<1x16xf32> to vector<16xf32>
        %add3A_180 = arith.addf %get3A_179, %reshape3A : vector<16xf32>
        %swap3A_181 = arith.constant 0 : i32
        %swap3A_182 = arith.index_cast %swap3A_181 : i32 to index
        %swap3A_183 = arith.index_cast %mul3A_174 : i32 to index
        %swap3A_184 = tpu.vector_load %arg6[%swap3A_182, %swap3A_183] {strides = array<i32>} : memref<8x4096xf32, #tpu.memory_space<vmem>>, vector<1x16xf32>,
        %swap3A_185 = vector.shape_cast %swap3A_184 : vector<1x16xf32> to vector<16xf32>
        %swap3A_186 = vector.shape_cast %add3A_180 : vector<16xf32> to vector<1x16xf32>
        tpu.vector_store %arg6[%swap3A_182, %swap3A_183], %swap3A_186 {strides = array<i32>} : memref<8x4096xf32, #tpu.memory_space<vmem>>, vector<1x16xf32>,
        %mul3A_187 = arith.constant 8 : i32
        %mul3A_188 = arith.muli %scan3A_133, %mul3A_187 : i32
        %add3A_189 = arith.constant 3 : i32
        %add3A_190 = arith.addi %mul3A_188, %add3A_189 : i32
        %mul3A_191 = arith.constant 16 : i32
        %mul3A_192 = arith.muli %add3A_190, %mul3A_191 : i32
        %get3A_193 = arith.constant 0 : i32
        %get3A_194 = arith.index_cast %get3A_193 : i32 to index
        %get3A_195 = arith.index_cast %mul3A_192 : i32 to index
        %get3A_196 = tpu.vector_load %arg6[%get3A_194, %get3A_195] {strides = array<i32>} : memref<8x4096xf32, #tpu.memory_space<vmem>>, vector<1x16xf32>,
        %get3A_197 = vector.shape_cast %get3A_196 : vector<1x16xf32> to vector<16xf32>
        %add3A_198 = arith.addf %get3A_197, %reshape3A : vector<16xf32>
        %swap3A_199 = arith.constant 0 : i32
        %swap3A_200 = arith.index_cast %swap3A_199 : i32 to index
        %swap3A_201 = arith.index_cast %mul3A_192 : i32 to index
        %swap3A_202 = tpu.vector_load %arg6[%swap3A_200, %swap3A_201] {strides = array<i32>} : memref<8x4096xf32, #tpu.memory_space<vmem>>, vector<1x16xf32>,
        %swap3A_203 = vector.shape_cast %swap3A_202 : vector<1x16xf32> to vector<16xf32>
        %swap3A_204 = vector.shape_cast %add3A_198 : vector<16xf32> to vector<1x16xf32>
        tpu.vector_store %arg6[%swap3A_200, %swap3A_201], %swap3A_204 {strides = array<i32>} : memref<8x4096xf32, #tpu.memory_space<vmem>>, vector<1x16xf32>,
        %mul3A_205 = arith.constant 8 : i32
        %mul3A_206 = arith.muli %scan3A_133, %mul3A_205 : i32
        %add3A_207 = arith.constant 4 : i32
        %add3A_208 = arith.addi %mul3A_206, %add3A_207 : i32
        %mul3A_209 = arith.constant 16 : i32
        %mul3A_210 = arith.muli %add3A_208, %mul3A_209 : i32
        %get3A_211 = arith.constant 0 : i32
        %get3A_212 = arith.index_cast %get3A_211 : i32 to index
        %get3A_213 = arith.index_cast %mul3A_210 : i32 to index
        %get3A_214 = tpu.vector_load %arg6[%get3A_212, %get3A_213] {strides = array<i32>} : memref<8x4096xf32, #tpu.memory_space<vmem>>, vector<1x16xf32>,
        %get3A_215 = vector.shape_cast %get3A_214 : vector<1x16xf32> to vector<16xf32>
        %add3A_216 = arith.addf %get3A_215, %reshape3A : vector<16xf32>
        %swap3A_217 = arith.constant 0 : i32
        %swap3A_218 = arith.index_cast %swap3A_217 : i32 to index
        %swap3A_219 = arith.index_cast %mul3A_210 : i32 to index
        %swap3A_220 = tpu.vector_load %arg6[%swap3A_218, %swap3A_219] {strides = array<i32>} : memref<8x4096xf32, #tpu.memory_space<vmem>>, vector<1x16xf32>,
        %swap3A_221 = vector.shape_cast %swap3A_220 : vector<1x16xf32> to vector<16xf32>
        %swap3A_222 = vector.shape_cast %add3A_216 : vector<16xf32> to vector<1x16xf32>
        tpu.vector_store %arg6[%swap3A_218, %swap3A_219], %swap3A_222 {strides = array<i32>} : memref<8x4096xf32, #tpu.memory_space<vmem>>, vector<1x16xf32>,
        %mul3A_223 = arith.constant 8 : i32
        %mul3A_224 = arith.muli %scan3A_133, %mul3A_223 : i32
        %add3A_225 = arith.constant 5 : i32
        %add3A_226 = arith.addi %mul3A_224, %add3A_225 : i32
        %mul3A_227 = arith.constant 16 : i32
        %mul3A_228 = arith.muli %add3A_226, %mul3A_227 : i32
        %get3A_229 = arith.constant 0 : i32
        %get3A_230 = arith.index_cast %get3A_229 : i32 to index
        %get3A_231 = arith.index_cast %mul3A_228 : i32 to index
        %get3A_232 = tpu.vector_load %arg6[%get3A_230, %get3A_231] {strides = array<i32>} : memref<8x4096xf32, #tpu.memory_space<vmem>>, vector<1x16xf32>,
        %get3A_233 = vector.shape_cast %get3A_232 : vector<1x16xf32> to vector<16xf32>
        %add3A_234 = arith.addf %get3A_233, %reshape3A : vector<16xf32>
        %swap3A_235 = arith.constant 0 : i32
        %swap3A_236 = arith.index_cast %swap3A_235 : i32 to index
        %swap3A_237 = arith.index_cast %mul3A_228 : i32 to index
        %swap3A_238 = tpu.vector_load %arg6[%swap3A_236, %swap3A_237] {strides = array<i32>} : memref<8x4096xf32, #tpu.memory_space<vmem>>, vector<1x16xf32>,
        %swap3A_239 = vector.shape_cast %swap3A_238 : vector<1x16xf32> to vector<16xf32>
        %swap3A_240 = vector.shape_cast %add3A_234 : vector<16xf32> to vector<1x16xf32>
        tpu.vector_store %arg6[%swap3A_236, %swap3A_237], %swap3A_240 {strides = array<i32>} : memref<8x4096xf32, #tpu.memory_space<vmem>>, vector<1x16xf32>,
        %mul3A_241 = arith.constant 8 : i32
        %mul3A_242 = arith.muli %scan3A_133, %mul3A_241 : i32
        %add3A_243 = arith.constant 6 : i32
        %add3A_244 = arith.addi %mul3A_242, %add3A_243 : i32
        %mul3A_245 = arith.constant 16 : i32
        %mul3A_246 = arith.muli %add3A_244, %mul3A_245 : i32
        %get3A_247 = arith.constant 0 : i32
        %get3A_248 = arith.index_cast %get3A_247 : i32 to index
        %get3A_249 = arith.index_cast %mul3A_246 : i32 to index
        %get3A_250 = tpu.vector_load %arg6[%get3A_248, %get3A_249] {strides = array<i32>} : memref<8x4096xf32, #tpu.memory_space<vmem>>, vector<1x16xf32>,
        %get3A_251 = vector.shape_cast %get3A_250 : vector<1x16xf32> to vector<16xf32>
        %add3A_252 = arith.addf %get3A_251, %reshape3A : vector<16xf32>
        %swap3A_253 = arith.constant 0 : i32
        %swap3A_254 = arith.index_cast %swap3A_253 : i32 to index
        %swap3A_255 = arith.index_cast %mul3A_246 : i32 to index
        %swap3A_256 = tpu.vector_load %arg6[%swap3A_254, %swap3A_255] {strides = array<i32>} : memref<8x4096xf32, #tpu.memory_space<vmem>>, vector<1x16xf32>,
        %swap3A_257 = vector.shape_cast %swap3A_256 : vector<1x16xf32> to vector<16xf32>
        %swap3A_258 = vector.shape_cast %add3A_252 : vector<16xf32> to vector<1x16xf32>
        tpu.vector_store %arg6[%swap3A_254, %swap3A_255], %swap3A_258 {strides = array<i32>} : memref<8x4096xf32, #tpu.memory_space<vmem>>, vector<1x16xf32>,
        %mul3A_259 = arith.constant 8 : i32
        %mul3A_260 = arith.muli %scan3A_133, %mul3A_259 : i32
        %add3A_261 = arith.constant 7 : i32
        %add3A_262 = arith.addi %mul3A_260, %add3A_261 : i32
        %mul3A_263 = arith.constant 16 : i32
        %mul3A_264 = arith.muli %add3A_262, %mul3A_263 : i32
        %get3A_265 = arith.constant 0 : i32
        %get3A_266 = arith.index_cast %get3A_265 : i32 to index
        %get3A_267 = arith.index_cast %mul3A_264 : i32 to index
        %get3A_268 = tpu.vector_load %arg6[%get3A_266, %get3A_267] {strides = array<i32>} : memref<8x4096xf32, #tpu.memory_space<vmem>>, vector<1x16xf32>,
        %get3A_269 = vector.shape_cast %get3A_268 : vector<1x16xf32> to vector<16xf32>
        %add3A_270 = arith.addf %get3A_269, %reshape3A : vector<16xf32>
        %swap3A_271 = arith.constant 0 : i32
        %swap3A_272 = arith.index_cast %swap3A_271 : i32 to index
        %swap3A_273 = arith.index_cast %mul3A_264 : i32 to index
        %swap3A_274 = tpu.vector_load %arg6[%swap3A_272, %swap3A_273] {strides = array<i32>} : memref<8x4096xf32, #tpu.memory_space<vmem>>, vector<1x16xf32>,
        %swap3A_275 = vector.shape_cast %swap3A_274 : vector<1x16xf32> to vector<16xf32>
        %swap3A_276 = vector.shape_cast %add3A_270 : vector<16xf32> to vector<1x16xf32>
        tpu.vector_store %arg6[%swap3A_272, %swap3A_273], %swap3A_276 {strides = array<i32>} : memref<8x4096xf32, #tpu.memory_space<vmem>>, vector<1x16xf32>,
      }
      %scan3A_26 = arith.constant 32 : i32
      %mul3A_27 = arith.constant 8 : i32
      %mul3A_28 = arith.muli %scan3A_10, %mul3A_27 : i32
      %add3A_29 = arith.constant 1 : i32
      %add3A_30 = arith.addi %mul3A_28, %add3A_29 : i32
      %get3A_31 = arith.index_cast %add3A_30 : i32 to index
      %get3A_32 = arith.constant 0 : index
      %get3A_33 = tpu.vector_load %arg5[%get3A_31, %get3A_32] {strides = array<i32>} : memref<136x16xf32, #tpu.memory_space<vmem>>, vector<1x16xf32>,
      %get3A_34 = vector.shape_cast %get3A_33 : vector<1x16xf32> to vector<1x16xf32>
      %reshape3A_35 = vector.shape_cast %get3A_34 : vector<1x16xf32> to vector<16xf32>
      %scan3A_36 = arith.constant 0 : i32
      %scan3A_37 = arith.constant 0 : i32
      %scan3A_38 = arith.constant 32 : i32
      %scan3A_39 = arith.addi %scan3A_37, %scan3A_38 : i32
      %scan3A_40 = arith.constant 1 : i32
      scf.for %scan3A_133 = %scan3A_37 to %scan3A_39 step %scan3A_40  : i32 {
        %mul3A_134 = arith.constant 8 : i32
        %mul3A_135 = arith.muli %scan3A_133, %mul3A_134 : i32
        %add3A_136 = arith.constant 0 : i32
        %add3A_137 = arith.addi %mul3A_135, %add3A_136 : i32
        %mul3A_138 = arith.constant 16 : i32
        %mul3A_139 = arith.muli %add3A_137, %mul3A_138 : i32
        %get3A_140 = arith.constant 1 : i32
        %get3A_141 = arith.index_cast %get3A_140 : i32 to index
        %get3A_142 = arith.index_cast %mul3A_139 : i32 to index
        %get3A_143 = tpu.vector_load %arg6[%get3A_141, %get3A_142] {strides = array<i32>} : memref<8x4096xf32, #tpu.memory_space<vmem>>, vector<1x16xf32>,
        %get3A_144 = vector.shape_cast %get3A_143 : vector<1x16xf32> to vector<16xf32>
        %add3A_145 = arith.addf %get3A_144, %reshape3A_35 : vector<16xf32>
        %swap3A = arith.constant 1 : i32
        %swap3A_146 = arith.index_cast %swap3A : i32 to index
        %swap3A_147 = arith.index_cast %mul3A_139 : i32 to index
        %swap3A_148 = tpu.vector_load %arg6[%swap3A_146, %swap3A_147] {strides = array<i32>} : memref<8x4096xf32, #tpu.memory_space<vmem>>, vector<1x16xf32>,
        %swap3A_149 = vector.shape_cast %swap3A_148 : vector<1x16xf32> to vector<16xf32>
        %swap3A_150 = vector.shape_cast %add3A_145 : vector<16xf32> to vector<1x16xf32>
        tpu.vector_store %arg6[%swap3A_146, %swap3A_147], %swap3A_150 {strides = array<i32>} : memref<8x4096xf32, #tpu.memory_space<vmem>>, vector<1x16xf32>,
        %mul3A_151 = arith.constant 8 : i32
        %mul3A_152 = arith.muli %scan3A_133, %mul3A_151 : i32
        %add3A_153 = arith.constant 1 : i32
        %add3A_154 = arith.addi %mul3A_152, %add3A_153 : i32
        %mul3A_155 = arith.constant 16 : i32
        %mul3A_156 = arith.muli %add3A_154, %mul3A_155 : i32
        %get3A_157 = arith.constant 1 : i32
        %get3A_158 = arith.index_cast %get3A_157 : i32 to index
        %get3A_159 = arith.index_cast %mul3A_156 : i32 to index
        %get3A_160 = tpu.vector_load %arg6[%get3A_158, %get3A_159] {strides = array<i32>} : memref<8x4096xf32, #tpu.memory_space<vmem>>, vector<1x16xf32>,
        %get3A_161 = vector.shape_cast %get3A_160 : vector<1x16xf32> to vector<16xf32>
        %add3A_162 = arith.addf %get3A_161, %reshape3A_35 : vector<16xf32>
        %swap3A_163 = arith.constant 1 : i32
        %swap3A_164 = arith.index_cast %swap3A_163 : i32 to index
        %swap3A_165 = arith.index_cast %mul3A_156 : i32 to index
        %swap3A_166 = tpu.vector_load %arg6[%swap3A_164, %swap3A_165] {strides = array<i32>} : memref<8x4096xf32, #tpu.memory_space<vmem>>, vector<1x16xf32>,
        %swap3A_167 = vector.shape_cast %swap3A_166 : vector<1x16xf32> to vector<16xf32>
        %swap3A_168 = vector.shape_cast %add3A_162 : vector<16xf32> to vector<1x16xf32>
        tpu.vector_store %arg6[%swap3A_164, %swap3A_165], %swap3A_168 {strides = array<i32>} : memref<8x4096xf32, #tpu.memory_space<vmem>>, vector<1x16xf32>,
        %mul3A_169 = arith.constant 8 : i32
        %mul3A_170 = arith.muli %scan3A_133, %mul3A_169 : i32
        %add3A_171 = arith.constant 2 : i32
        %add3A_172 = arith.addi %mul3A_170, %add3A_171 : i32
        %mul3A_173 = arith.constant 16 : i32
        %mul3A_174 = arith.muli %add3A_172, %mul3A_173 : i32
        %get3A_175 = arith.constant 1 : i32
        %get3A_176 = arith.index_cast %get3A_175 : i32 to index
        %get3A_177 = arith.index_cast %mul3A_174 : i32 to index
        %get3A_178 = tpu.vector_load %arg6[%get3A_176, %get3A_177] {strides = array<i32>} : memref<8x4096xf32, #tpu.memory_space<vmem>>, vector<1x16xf32>,
        %get3A_179 = vector.shape_cast %get3A_178 : vector<1x16xf32> to vector<16xf32>
        %add3A_180 = arith.addf %get3A_179, %reshape3A_35 : vector<16xf32>
        %swap3A_181 = arith.constant 1 : i32
        %swap3A_182 = arith.index_cast %swap3A_181 : i32 to index
        %swap3A_183 = arith.index_cast %mul3A_174 : i32 to index
        %swap3A_184 = tpu.vector_load %arg6[%swap3A_182, %swap3A_183] {strides = array<i32>} : memref<8x4096xf32, #tpu.memory_space<vmem>>, vector<1x16xf32>,
        %swap3A_185 = vector.shape_cast %swap3A_184 : vector<1x16xf32> to vector<16xf32>
        %swap3A_186 = vector.shape_cast %add3A_180 : vector<16xf32> to vector<1x16xf32>
        tpu.vector_store %arg6[%swap3A_182, %swap3A_183], %swap3A_186 {strides = array<i32>} : memref<8x4096xf32, #tpu.memory_space<vmem>>, vector<1x16xf32>,
        %mul3A_187 = arith.constant 8 : i32
        %mul3A_188 = arith.muli %scan3A_133, %mul3A_187 : i32
        %add3A_189 = arith.constant 3 : i32
        %add3A_190 = arith.addi %mul3A_188, %add3A_189 : i32
        %mul3A_191 = arith.constant 16 : i32
        %mul3A_192 = arith.muli %add3A_190, %mul3A_191 : i32
        %get3A_193 = arith.constant 1 : i32
        %get3A_194 = arith.index_cast %get3A_193 : i32 to index
        %get3A_195 = arith.index_cast %mul3A_192 : i32 to index
        %get3A_196 = tpu.vector_load %arg6[%get3A_194, %get3A_195] {strides = array<i32>} : memref<8x4096xf32, #tpu.memory_space<vmem>>, vector<1x16xf32>,
        %get3A_197 = vector.shape_cast %get3A_196 : vector<1x16xf32> to vector<16xf32>
        %add3A_198 = arith.addf %get3A_197, %reshape3A_35 : vector<16xf32>
        %swap3A_199 = arith.constant 1 : i32
        %swap3A_200 = arith.index_cast %swap3A_199 : i32 to index
        %swap3A_201 = arith.index_cast %mul3A_192 : i32 to index
        %swap3A_202 = tpu.vector_load %arg6[%swap3A_200, %swap3A_201] {strides = array<i32>} : memref<8x4096xf32, #tpu.memory_space<vmem>>, vector<1x16xf32>,
        %swap3A_203 = vector.shape_cast %swap3A_202 : vector<1x16xf32> to vector<16xf32>
        %swap3A_204 = vector.shape_cast %add3A_198 : vector<16xf32> to vector<1x16xf32>
        tpu.vector_store %arg6[%swap3A_200, %swap3A_201], %swap3A_204 {strides = array<i32>} : memref<8x4096xf32, #tpu.memory_space<vmem>>, vector<1x16xf32>,
        %mul3A_205 = arith.constant 8 : i32
        %mul3A_206 = arith.muli %scan3A_133, %mul3A_205 : i32
        %add3A_207 = arith.constant 4 : i32
        %add3A_208 = arith.addi %mul3A_206, %add3A_207 : i32
        %mul3A_209 = arith.constant 16 : i32
        %mul3A_210 = arith.muli %add3A_208, %mul3A_209 : i32
        %get3A_211 = arith.constant 1 : i32
        %get3A_212 = arith.index_cast %get3A_211 : i32 to index
        %get3A_213 = arith.index_cast %mul3A_210 : i32 to index
        %get3A_214 = tpu.vector_load %arg6[%get3A_212, %get3A_213] {strides = array<i32>} : memref<8x4096xf32, #tpu.memory_space<vmem>>, vector<1x16xf32>,
        %get3A_215 = vector.shape_cast %get3A_214 : vector<1x16xf32> to vector<16xf32>
        %add3A_216 = arith.addf %get3A_215, %reshape3A_35 : vector<16xf32>
        %swap3A_217 = arith.constant 1 : i32
        %swap3A_218 = arith.index_cast %swap3A_217 : i32 to index
        %swap3A_219 = arith.index_cast %mul3A_210 : i32 to index
        %swap3A_220 = tpu.vector_load %arg6[%swap3A_218, %swap3A_219] {strides = array<i32>} : memref<8x4096xf32, #tpu.memory_space<vmem>>, vector<1x16xf32>,
        %swap3A_221 = vector.shape_cast %swap3A_220 : vector<1x16xf32> to vector<16xf32>
        %swap3A_222 = vector.shape_cast %add3A_216 : vector<16xf32> to vector<1x16xf32>
        tpu.vector_store %arg6[%swap3A_218, %swap3A_219], %swap3A_222 {strides = array<i32>} : memref<8x4096xf32, #tpu.memory_space<vmem>>, vector<1x16xf32>,
        %mul3A_223 = arith.constant 8 : i32
        %mul3A_224 = arith.muli %scan3A_133, %mul3A_223 : i32
        %add3A_225 = arith.constant 5 : i32
        %add3A_226 = arith.addi %mul3A_224, %add3A_225 : i32
        %mul3A_227 = arith.constant 16 : i32
        %mul3A_228 = arith.muli %add3A_226, %mul3A_227 : i32
        %get3A_229 = arith.constant 1 : i32
        %get3A_230 = arith.index_cast %get3A_229 : i32 to index
        %get3A_231 = arith.index_cast %mul3A_228 : i32 to index
        %get3A_232 = tpu.vector_load %arg6[%get3A_230, %get3A_231] {strides = array<i32>} : memref<8x4096xf32, #tpu.memory_space<vmem>>, vector<1x16xf32>,
        %get3A_233 = vector.shape_cast %get3A_232 : vector<1x16xf32> to vector<16xf32>
        %add3A_234 = arith.addf %get3A_233, %reshape3A_35 : vector<16xf32>
        %swap3A_235 = arith.constant 1 : i32
        %swap3A_236 = arith.index_cast %swap3A_235 : i32 to index
        %swap3A_237 = arith.index_cast %mul3A_228 : i32 to index
        %swap3A_238 = tpu.vector_load %arg6[%swap3A_236, %swap3A_237] {strides = array<i32>} : memref<8x4096xf32, #tpu.memory_space<vmem>>, vector<1x16xf32>,
        %swap3A_239 = vector.shape_cast %swap3A_238 : vector<1x16xf32> to vector<16xf32>
        %swap3A_240 = vector.shape_cast %add3A_234 : vector<16xf32> to vector<1x16xf32>
        tpu.vector_store %arg6[%swap3A_236, %swap3A_237], %swap3A_240 {strides = array<i32>} : memref<8x4096xf32, #tpu.memory_space<vmem>>, vector<1x16xf32>,
        %mul3A_241 = arith.constant 8 : i32
        %mul3A_242 = arith.muli %scan3A_133, %mul3A_241 : i32
        %add3A_243 = arith.constant 6 : i32
        %add3A_244 = arith.addi %mul3A_242, %add3A_243 : i32
        %mul3A_245 = arith.constant 16 : i32
        %mul3A_246 = arith.muli %add3A_244, %mul3A_245 : i32
        %get3A_247 = arith.constant 1 : i32
        %get3A_248 = arith.index_cast %get3A_247 : i32 to index
        %get3A_249 = arith.index_cast %mul3A_246 : i32 to index
        %get3A_250 = tpu.vector_load %arg6[%get3A_248, %get3A_249] {strides = array<i32>} : memref<8x4096xf32, #tpu.memory_space<vmem>>, vector<1x16xf32>,
        %get3A_251 = vector.shape_cast %get3A_250 : vector<1x16xf32> to vector<16xf32>
        %add3A_252 = arith.addf %get3A_251, %reshape3A_35 : vector<16xf32>
        %swap3A_253 = arith.constant 1 : i32
        %swap3A_254 = arith.index_cast %swap3A_253 : i32 to index
        %swap3A_255 = arith.index_cast %mul3A_246 : i32 to index
        %swap3A_256 = tpu.vector_load %arg6[%swap3A_254, %swap3A_255] {strides = array<i32>} : memref<8x4096xf32, #tpu.memory_space<vmem>>, vector<1x16xf32>,
        %swap3A_257 = vector.shape_cast %swap3A_256 : vector<1x16xf32> to vector<16xf32>
        %swap3A_258 = vector.shape_cast %add3A_252 : vector<16xf32> to vector<1x16xf32>
        tpu.vector_store %arg6[%swap3A_254, %swap3A_255], %swap3A_258 {strides = array<i32>} : memref<8x4096xf32, #tpu.memory_space<vmem>>, vector<1x16xf32>,
        %mul3A_259 = arith.constant 8 : i32
        %mul3A_260 = arith.muli %scan3A_133, %mul3A_259 : i32
        %add3A_261 = arith.constant 7 : i32
        %add3A_262 = arith.addi %mul3A_260, %add3A_261 : i32
        %mul3A_263 = arith.constant 16 : i32
        %mul3A_264 = arith.muli %add3A_262, %mul3A_263 : i32
        %get3A_265 = arith.constant 1 : i32
        %get3A_266 = arith.index_cast %get3A_265 : i32 to index
        %get3A_267 = arith.index_cast %mul3A_264 : i32 to index
        %get3A_268 = tpu.vector_load %arg6[%get3A_266, %get3A_267] {strides = array<i32>} : memref<8x4096xf32, #tpu.memory_space<vmem>>, vector<1x16xf32>,
        %get3A_269 = vector.shape_cast %get3A_268 : vector<1x16xf32> to vector<16xf32>
        %add3A_270 = arith.addf %get3A_269, %reshape3A_35 : vector<16xf32>
        %swap3A_271 = arith.constant 1 : i32
        %swap3A_272 = arith.index_cast %swap3A_271 : i32 to index
        %swap3A_273 = arith.index_cast %mul3A_264 : i32 to index
        %swap3A_274 = tpu.vector_load %arg6[%swap3A_272, %swap3A_273] {strides = array<i32>} : memref<8x4096xf32, #tpu.memory_space<vmem>>, vector<1x16xf32>,
        %swap3A_275 = vector.shape_cast %swap3A_274 : vector<1x16xf32> to vector<16xf32>
        %swap3A_276 = vector.shape_cast %add3A_270 : vector<16xf32> to vector<1x16xf32>
        tpu.vector_store %arg6[%swap3A_272, %swap3A_273], %swap3A_276 {strides = array<i32>} : memref<8x4096xf32, #tpu.memory_space<vmem>>, vector<1x16xf32>,
      }
      %scan3A_41 = arith.constant 32 : i32
      %mul3A_42 = arith.constant 8 : i32
      %mul3A_43 = arith.muli %scan3A_10, %mul3A_42 : i32
      %add3A_44 = arith.constant 2 : i32
      %add3A_45 = arith.addi %mul3A_43, %add3A_44 : i32
      %get3A_46 = arith.index_cast %add3A_45 : i32 to index
      %get3A_47 = arith.constant 0 : index
      %get3A_48 = tpu.vector_load %arg5[%get3A_46, %get3A_47] {strides = array<i32>} : memref<136x16xf32, #tpu.memory_space<vmem>>, vector<1x16xf32>,
      %get3A_49 = vector.shape_cast %get3A_48 : vector<1x16xf32> to vector<1x16xf32>
      %reshape3A_50 = vector.shape_cast %get3A_49 : vector<1x16xf32> to vector<16xf32>
      %scan3A_51 = arith.constant 0 : i32
      %scan3A_52 = arith.constant 0 : i32
      %scan3A_53 = arith.constant 32 : i32
      %scan3A_54 = arith.addi %scan3A_52, %scan3A_53 : i32
      %scan3A_55 = arith.constant 1 : i32
      scf.for %scan3A_133 = %scan3A_52 to %scan3A_54 step %scan3A_55  : i32 {
        %mul3A_134 = arith.constant 8 : i32
        %mul3A_135 = arith.muli %scan3A_133, %mul3A_134 : i32
        %add3A_136 = arith.constant 0 : i32
        %add3A_137 = arith.addi %mul3A_135, %add3A_136 : i32
        %mul3A_138 = arith.constant 16 : i32
        %mul3A_139 = arith.muli %add3A_137, %mul3A_138 : i32
        %get3A_140 = arith.constant 2 : i32
        %get3A_141 = arith.index_cast %get3A_140 : i32 to index
        %get3A_142 = arith.index_cast %mul3A_139 : i32 to index
        %get3A_143 = tpu.vector_load %arg6[%get3A_141, %get3A_142] {strides = array<i32>} : memref<8x4096xf32, #tpu.memory_space<vmem>>, vector<1x16xf32>,
        %get3A_144 = vector.shape_cast %get3A_143 : vector<1x16xf32> to vector<16xf32>
        %add3A_145 = arith.addf %get3A_144, %reshape3A_50 : vector<16xf32>
        %swap3A = arith.constant 2 : i32
        %swap3A_146 = arith.index_cast %swap3A : i32 to index
        %swap3A_147 = arith.index_cast %mul3A_139 : i32 to index
        %swap3A_148 = tpu.vector_load %arg6[%swap3A_146, %swap3A_147] {strides = array<i32>} : memref<8x4096xf32, #tpu.memory_space<vmem>>, vector<1x16xf32>,
        %swap3A_149 = vector.shape_cast %swap3A_148 : vector<1x16xf32> to vector<16xf32>
        %swap3A_150 = vector.shape_cast %add3A_145 : vector<16xf32> to vector<1x16xf32>
        tpu.vector_store %arg6[%swap3A_146, %swap3A_147], %swap3A_150 {strides = array<i32>} : memref<8x4096xf32, #tpu.memory_space<vmem>>, vector<1x16xf32>,
        %mul3A_151 = arith.constant 8 : i32
        %mul3A_152 = arith.muli %scan3A_133, %mul3A_151 : i32
        %add3A_153 = arith.constant 1 : i32
        %add3A_154 = arith.addi %mul3A_152, %add3A_153 : i32
        %mul3A_155 = arith.constant 16 : i32
        %mul3A_156 = arith.muli %add3A_154, %mul3A_155 : i32
        %get3A_157 = arith.constant 2 : i32
        %get3A_158 = arith.index_cast %get3A_157 : i32 to index
        %get3A_159 = arith.index_cast %mul3A_156 : i32 to index
        %get3A_160 = tpu.vector_load %arg6[%get3A_158, %get3A_159] {strides = array<i32>} : memref<8x4096xf32, #tpu.memory_space<vmem>>, vector<1x16xf32>,
        %get3A_161 = vector.shape_cast %get3A_160 : vector<1x16xf32> to vector<16xf32>
        %add3A_162 = arith.addf %get3A_161, %reshape3A_50 : vector<16xf32>
        %swap3A_163 = arith.constant 2 : i32
        %swap3A_164 = arith.index_cast %swap3A_163 : i32 to index
        %swap3A_165 = arith.index_cast %mul3A_156 : i32 to index
        %swap3A_166 = tpu.vector_load %arg6[%swap3A_164, %swap3A_165] {strides = array<i32>} : memref<8x4096xf32, #tpu.memory_space<vmem>>, vector<1x16xf32>,
        %swap3A_167 = vector.shape_cast %swap3A_166 : vector<1x16xf32> to vector<16xf32>
        %swap3A_168 = vector.shape_cast %add3A_162 : vector<16xf32> to vector<1x16xf32>
        tpu.vector_store %arg6[%swap3A_164, %swap3A_165], %swap3A_168 {strides = array<i32>} : memref<8x4096xf32, #tpu.memory_space<vmem>>, vector<1x16xf32>,
        %mul3A_169 = arith.constant 8 : i32
        %mul3A_170 = arith.muli %scan3A_133, %mul3A_169 : i32
        %add3A_171 = arith.constant 2 : i32
        %add3A_172 = arith.addi %mul3A_170, %add3A_171 : i32
        %mul3A_173 = arith.constant 16 : i32
        %mul3A_174 = arith.muli %add3A_172, %mul3A_173 : i32
        %get3A_175 = arith.constant 2 : i32
        %get3A_176 = arith.index_cast %get3A_175 : i32 to index
        %get3A_177 = arith.index_cast %mul3A_174 : i32 to index
        %get3A_178 = tpu.vector_load %arg6[%get3A_176, %get3A_177] {strides = array<i32>} : memref<8x4096xf32, #tpu.memory_space<vmem>>, vector<1x16xf32>,
        %get3A_179 = vector.shape_cast %get3A_178 : vector<1x16xf32> to vector<16xf32>
        %add3A_180 = arith.addf %get3A_179, %reshape3A_50 : vector<16xf32>
        %swap3A_181 = arith.constant 2 : i32
        %swap3A_182 = arith.index_cast %swap3A_181 : i32 to index
        %swap3A_183 = arith.index_cast %mul3A_174 : i32 to index
        %swap3A_184 = tpu.vector_load %arg6[%swap3A_182, %swap3A_183] {strides = array<i32>} : memref<8x4096xf32, #tpu.memory_space<vmem>>, vector<1x16xf32>,
        %swap3A_185 = vector.shape_cast %swap3A_184 : vector<1x16xf32> to vector<16xf32>
        %swap3A_186 = vector.shape_cast %add3A_180 : vector<16xf32> to vector<1x16xf32>
        tpu.vector_store %arg6[%swap3A_182, %swap3A_183], %swap3A_186 {strides = array<i32>} : memref<8x4096xf32, #tpu.memory_space<vmem>>, vector<1x16xf32>,
        %mul3A_187 = arith.constant 8 : i32
        %mul3A_188 = arith.muli %scan3A_133, %mul3A_187 : i32
        %add3A_189 = arith.constant 3 : i32
        %add3A_190 = arith.addi %mul3A_188, %add3A_189 : i32
        %mul3A_191 = arith.constant 16 : i32
        %mul3A_192 = arith.muli %add3A_190, %mul3A_191 : i32
        %get3A_193 = arith.constant 2 : i32
        %get3A_194 = arith.index_cast %get3A_193 : i32 to index
        %get3A_195 = arith.index_cast %mul3A_192 : i32 to index
        %get3A_196 = tpu.vector_load %arg6[%get3A_194, %get3A_195] {strides = array<i32>} : memref<8x4096xf32, #tpu.memory_space<vmem>>, vector<1x16xf32>,
        %get3A_197 = vector.shape_cast %get3A_196 : vector<1x16xf32> to vector<16xf32>
        %add3A_198 = arith.addf %get3A_197, %reshape3A_50 : vector<16xf32>
        %swap3A_199 = arith.constant 2 : i32
        %swap3A_200 = arith.index_cast %swap3A_199 : i32 to index
        %swap3A_201 = arith.index_cast %mul3A_192 : i32 to index
        %swap3A_202 = tpu.vector_load %arg6[%swap3A_200, %swap3A_201] {strides = array<i32>} : memref<8x4096xf32, #tpu.memory_space<vmem>>, vector<1x16xf32>,
        %swap3A_203 = vector.shape_cast %swap3A_202 : vector<1x16xf32> to vector<16xf32>
        %swap3A_204 = vector.shape_cast %add3A_198 : vector<16xf32> to vector<1x16xf32>
        tpu.vector_store %arg6[%swap3A_200, %swap3A_201], %swap3A_204 {strides = array<i32>} : memref<8x4096xf32, #tpu.memory_space<vmem>>, vector<1x16xf32>,
        %mul3A_205 = arith.constant 8 : i32
        %mul3A_206 = arith.muli %scan3A_133, %mul3A_205 : i32
        %add3A_207 = arith.constant 4 : i32
        %add3A_208 = arith.addi %mul3A_206, %add3A_207 : i32
        %mul3A_209 = arith.constant 16 : i32
        %mul3A_210 = arith.muli %add3A_208, %mul3A_209 : i32
        %get3A_211 = arith.constant 2 : i32
        %get3A_212 = arith.index_cast %get3A_211 : i32 to index
        %get3A_213 = arith.index_cast %mul3A_210 : i32 to index
        %get3A_214 = tpu.vector_load %arg6[%get3A_212, %get3A_213] {strides = array<i32>} : memref<8x4096xf32, #tpu.memory_space<vmem>>, vector<1x16xf32>,
        %get3A_215 = vector.shape_cast %get3A_214 : vector<1x16xf32> to vector<16xf32>
        %add3A_216 = arith.addf %get3A_215, %reshape3A_50 : vector<16xf32>
        %swap3A_217 = arith.constant 2 : i32
        %swap3A_218 = arith.index_cast %swap3A_217 : i32 to index
        %swap3A_219 = arith.index_cast %mul3A_210 : i32 to index
        %swap3A_220 = tpu.vector_load %arg6[%swap3A_218, %swap3A_219] {strides = array<i32>} : memref<8x4096xf32, #tpu.memory_space<vmem>>, vector<1x16xf32>,
        %swap3A_221 = vector.shape_cast %swap3A_220 : vector<1x16xf32> to vector<16xf32>
        %swap3A_222 = vector.shape_cast %add3A_216 : vector<16xf32> to vector<1x16xf32>
        tpu.vector_store %arg6[%swap3A_218, %swap3A_219], %swap3A_222 {strides = array<i32>} : memref<8x4096xf32, #tpu.memory_space<vmem>>, vector<1x16xf32>,
        %mul3A_223 = arith.constant 8 : i32
        %mul3A_224 = arith.muli %scan3A_133, %mul3A_223 : i32
        %add3A_225 = arith.constant 5 : i32
        %add3A_226 = arith.addi %mul3A_224, %add3A_225 : i32
        %mul3A_227 = arith.constant 16 : i32
        %mul3A_228 = arith.muli %add3A_226, %mul3A_227 : i32
        %get3A_229 = arith.constant 2 : i32
        %get3A_230 = arith.index_cast %get3A_229 : i32 to index
        %get3A_231 = arith.index_cast %mul3A_228 : i32 to index
        %get3A_232 = tpu.vector_load %arg6[%get3A_230, %get3A_231] {strides = array<i32>} : memref<8x4096xf32, #tpu.memory_space<vmem>>, vector<1x16xf32>,
        %get3A_233 = vector.shape_cast %get3A_232 : vector<1x16xf32> to vector<16xf32>
        %add3A_234 = arith.addf %get3A_233, %reshape3A_50 : vector<16xf32>
        %swap3A_235 = arith.constant 2 : i32
        %swap3A_236 = arith.index_cast %swap3A_235 : i32 to index
        %swap3A_237 = arith.index_cast %mul3A_228 : i32 to index
        %swap3A_238 = tpu.vector_load %arg6[%swap3A_236, %swap3A_237] {strides = array<i32>} : memref<8x4096xf32, #tpu.memory_space<vmem>>, vector<1x16xf32>,
        %swap3A_239 = vector.shape_cast %swap3A_238 : vector<1x16xf32> to vector<16xf32>
        %swap3A_240 = vector.shape_cast %add3A_234 : vector<16xf32> to vector<1x16xf32>
        tpu.vector_store %arg6[%swap3A_236, %swap3A_237], %swap3A_240 {strides = array<i32>} : memref<8x4096xf32, #tpu.memory_space<vmem>>, vector<1x16xf32>,
        %mul3A_241 = arith.constant 8 : i32
        %mul3A_242 = arith.muli %scan3A_133, %mul3A_241 : i32
        %add3A_243 = arith.constant 6 : i32
        %add3A_244 = arith.addi %mul3A_242, %add3A_243 : i32
        %mul3A_245 = arith.constant 16 : i32
        %mul3A_246 = arith.muli %add3A_244, %mul3A_245 : i32
        %get3A_247 = arith.constant 2 : i32
        %get3A_248 = arith.index_cast %get3A_247 : i32 to index
        %get3A_249 = arith.index_cast %mul3A_246 : i32 to index
        %get3A_250 = tpu.vector_load %arg6[%get3A_248, %get3A_249] {strides = array<i32>} : memref<8x4096xf32, #tpu.memory_space<vmem>>, vector<1x16xf32>,
        %get3A_251 = vector.shape_cast %get3A_250 : vector<1x16xf32> to vector<16xf32>
        %add3A_252 = arith.addf %get3A_251, %reshape3A_50 : vector<16xf32>
        %swap3A_253 = arith.constant 2 : i32
        %swap3A_254 = arith.index_cast %swap3A_253 : i32 to index
        %swap3A_255 = arith.index_cast %mul3A_246 : i32 to index
        %swap3A_256 = tpu.vector_load %arg6[%swap3A_254, %swap3A_255] {strides = array<i32>} : memref<8x4096xf32, #tpu.memory_space<vmem>>, vector<1x16xf32>,
        %swap3A_257 = vector.shape_cast %swap3A_256 : vector<1x16xf32> to vector<16xf32>
        %swap3A_258 = vector.shape_cast %add3A_252 : vector<16xf32> to vector<1x16xf32>
        tpu.vector_store %arg6[%swap3A_254, %swap3A_255], %swap3A_258 {strides = array<i32>} : memref<8x4096xf32, #tpu.memory_space<vmem>>, vector<1x16xf32>,
        %mul3A_259 = arith.constant 8 : i32
        %mul3A_260 = arith.muli %scan3A_133, %mul3A_259 : i32
        %add3A_261 = arith.constant 7 : i32
        %add3A_262 = arith.addi %mul3A_260, %add3A_261 : i32
        %mul3A_263 = arith.constant 16 : i32
        %mul3A_264 = arith.muli %add3A_262, %mul3A_263 : i32
        %get3A_265 = arith.constant 2 : i32
        %get3A_266 = arith.index_cast %get3A_265 : i32 to index
        %get3A_267 = arith.index_cast %mul3A_264 : i32 to index
        %get3A_268 = tpu.vector_load %arg6[%get3A_266, %get3A_267] {strides = array<i32>} : memref<8x4096xf32, #tpu.memory_space<vmem>>, vector<1x16xf32>,
        %get3A_269 = vector.shape_cast %get3A_268 : vector<1x16xf32> to vector<16xf32>
        %add3A_270 = arith.addf %get3A_269, %reshape3A_50 : vector<16xf32>
        %swap3A_271 = arith.constant 2 : i32
        %swap3A_272 = arith.index_cast %swap3A_271 : i32 to index
        %swap3A_273 = arith.index_cast %mul3A_264 : i32 to index
        %swap3A_274 = tpu.vector_load %arg6[%swap3A_272, %swap3A_273] {strides = array<i32>} : memref<8x4096xf32, #tpu.memory_space<vmem>>, vector<1x16xf32>,
        %swap3A_275 = vector.shape_cast %swap3A_274 : vector<1x16xf32> to vector<16xf32>
        %swap3A_276 = vector.shape_cast %add3A_270 : vector<16xf32> to vector<1x16xf32>
        tpu.vector_store %arg6[%swap3A_272, %swap3A_273], %swap3A_276 {strides = array<i32>} : memref<8x4096xf32, #tpu.memory_space<vmem>>, vector<1x16xf32>,
      }
      %scan3A_56 = arith.constant 32 : i32
      %mul3A_57 = arith.constant 8 : i32
      %mul3A_58 = arith.muli %scan3A_10, %mul3A_57 : i32
      %add3A_59 = arith.constant 3 : i32
      %add3A_60 = arith.addi %mul3A_58, %add3A_59 : i32
      %get3A_61 = arith.index_cast %add3A_60 : i32 to index
      %get3A_62 = arith.constant 0 : index
      %get3A_63 = tpu.vector_load %arg5[%get3A_61, %get3A_62] {strides = array<i32>} : memref<136x16xf32, #tpu.memory_space<vmem>>, vector<1x16xf32>,
      %get3A_64 = vector.shape_cast %get3A_63 : vector<1x16xf32> to vector<1x16xf32>
      %reshape3A_65 = vector.shape_cast %get3A_64 : vector<1x16xf32> to vector<16xf32>
      %scan3A_66 = arith.constant 0 : i32
      %scan3A_67 = arith.constant 0 : i32
      %scan3A_68 = arith.constant 32 : i32
      %scan3A_69 = arith.addi %scan3A_67, %scan3A_68 : i32
      %scan3A_70 = arith.constant 1 : i32
      scf.for %scan3A_133 = %scan3A_67 to %scan3A_69 step %scan3A_70  : i32 {
        %mul3A_134 = arith.constant 8 : i32
        %mul3A_135 = arith.muli %scan3A_133, %mul3A_134 : i32
        %add3A_136 = arith.constant 0 : i32
        %add3A_137 = arith.addi %mul3A_135, %add3A_136 : i32
        %mul3A_138 = arith.constant 16 : i32
        %mul3A_139 = arith.muli %add3A_137, %mul3A_138 : i32
        %get3A_140 = arith.constant 3 : i32
        %get3A_141 = arith.index_cast %get3A_140 : i32 to index
        %get3A_142 = arith.index_cast %mul3A_139 : i32 to index
        %get3A_143 = tpu.vector_load %arg6[%get3A_141, %get3A_142] {strides = array<i32>} : memref<8x4096xf32, #tpu.memory_space<vmem>>, vector<1x16xf32>,
        %get3A_144 = vector.shape_cast %get3A_143 : vector<1x16xf32> to vector<16xf32>
        %add3A_145 = arith.addf %get3A_144, %reshape3A_65 : vector<16xf32>
        %swap3A = arith.constant 3 : i32
        %swap3A_146 = arith.index_cast %swap3A : i32 to index
        %swap3A_147 = arith.index_cast %mul3A_139 : i32 to index
        %swap3A_148 = tpu.vector_load %arg6[%swap3A_146, %swap3A_147] {strides = array<i32>} : memref<8x4096xf32, #tpu.memory_space<vmem>>, vector<1x16xf32>,
        %swap3A_149 = vector.shape_cast %swap3A_148 : vector<1x16xf32> to vector<16xf32>
        %swap3A_150 = vector.shape_cast %add3A_145 : vector<16xf32> to vector<1x16xf32>
        tpu.vector_store %arg6[%swap3A_146, %swap3A_147], %swap3A_150 {strides = array<i32>} : memref<8x4096xf32, #tpu.memory_space<vmem>>, vector<1x16xf32>,
        %mul3A_151 = arith.constant 8 : i32
        %mul3A_152 = arith.muli %scan3A_133, %mul3A_151 : i32
        %add3A_153 = arith.constant 1 : i32
        %add3A_154 = arith.addi %mul3A_152, %add3A_153 : i32
        %mul3A_155 = arith.constant 16 : i32
        %mul3A_156 = arith.muli %add3A_154, %mul3A_155 : i32
        %get3A_157 = arith.constant 3 : i32
        %get3A_158 = arith.index_cast %get3A_157 : i32 to index
        %get3A_159 = arith.index_cast %mul3A_156 : i32 to index
        %get3A_160 = tpu.vector_load %arg6[%get3A_158, %get3A_159] {strides = array<i32>} : memref<8x4096xf32, #tpu.memory_space<vmem>>, vector<1x16xf32>,
        %get3A_161 = vector.shape_cast %get3A_160 : vector<1x16xf32> to vector<16xf32>
        %add3A_162 = arith.addf %get3A_161, %reshape3A_65 : vector<16xf32>
        %swap3A_163 = arith.constant 3 : i32
        %swap3A_164 = arith.index_cast %swap3A_163 : i32 to index
        %swap3A_165 = arith.index_cast %mul3A_156 : i32 to index
        %swap3A_166 = tpu.vector_load %arg6[%swap3A_164, %swap3A_165] {strides = array<i32>} : memref<8x4096xf32, #tpu.memory_space<vmem>>, vector<1x16xf32>,
        %swap3A_167 = vector.shape_cast %swap3A_166 : vector<1x16xf32> to vector<16xf32>
        %swap3A_168 = vector.shape_cast %add3A_162 : vector<16xf32> to vector<1x16xf32>
        tpu.vector_store %arg6[%swap3A_164, %swap3A_165], %swap3A_168 {strides = array<i32>} : memref<8x4096xf32, #tpu.memory_space<vmem>>, vector<1x16xf32>,
        %mul3A_169 = arith.constant 8 : i32
        %mul3A_170 = arith.muli %scan3A_133, %mul3A_169 : i32
        %add3A_171 = arith.constant 2 : i32
        %add3A_172 = arith.addi %mul3A_170, %add3A_171 : i32
        %mul3A_173 = arith.constant 16 : i32
        %mul3A_174 = arith.muli %add3A_172, %mul3A_173 : i32
        %get3A_175 = arith.constant 3 : i32
        %get3A_176 = arith.index_cast %get3A_175 : i32 to index
        %get3A_177 = arith.index_cast %mul3A_174 : i32 to index
        %get3A_178 = tpu.vector_load %arg6[%get3A_176, %get3A_177] {strides = array<i32>} : memref<8x4096xf32, #tpu.memory_space<vmem>>, vector<1x16xf32>,
        %get3A_179 = vector.shape_cast %get3A_178 : vector<1x16xf32> to vector<16xf32>
        %add3A_180 = arith.addf %get3A_179, %reshape3A_65 : vector<16xf32>
        %swap3A_181 = arith.constant 3 : i32
        %swap3A_182 = arith.index_cast %swap3A_181 : i32 to index
        %swap3A_183 = arith.index_cast %mul3A_174 : i32 to index
        %swap3A_184 = tpu.vector_load %arg6[%swap3A_182, %swap3A_183] {strides = array<i32>} : memref<8x4096xf32, #tpu.memory_space<vmem>>, vector<1x16xf32>,
        %swap3A_185 = vector.shape_cast %swap3A_184 : vector<1x16xf32> to vector<16xf32>
        %swap3A_186 = vector.shape_cast %add3A_180 : vector<16xf32> to vector<1x16xf32>
        tpu.vector_store %arg6[%swap3A_182, %swap3A_183], %swap3A_186 {strides = array<i32>} : memref<8x4096xf32, #tpu.memory_space<vmem>>, vector<1x16xf32>,
        %mul3A_187 = arith.constant 8 : i32
        %mul3A_188 = arith.muli %scan3A_133, %mul3A_187 : i32
        %add3A_189 = arith.constant 3 : i32
        %add3A_190 = arith.addi %mul3A_188, %add3A_189 : i32
        %mul3A_191 = arith.constant 16 : i32
        %mul3A_192 = arith.muli %add3A_190, %mul3A_191 : i32
        %get3A_193 = arith.constant 3 : i32
        %get3A_194 = arith.index_cast %get3A_193 : i32 to index
        %get3A_195 = arith.index_cast %mul3A_192 : i32 to index
        %get3A_196 = tpu.vector_load %arg6[%get3A_194, %get3A_195] {strides = array<i32>} : memref<8x4096xf32, #tpu.memory_space<vmem>>, vector<1x16xf32>,
        %get3A_197 = vector.shape_cast %get3A_196 : vector<1x16xf32> to vector<16xf32>
        %add3A_198 = arith.addf %get3A_197, %reshape3A_65 : vector<16xf32>
        %swap3A_199 = arith.constant 3 : i32
        %swap3A_200 = arith.index_cast %swap3A_199 : i32 to index
        %swap3A_201 = arith.index_cast %mul3A_192 : i32 to index
        %swap3A_202 = tpu.vector_load %arg6[%swap3A_200, %swap3A_201] {strides = array<i32>} : memref<8x4096xf32, #tpu.memory_space<vmem>>, vector<1x16xf32>,
        %swap3A_203 = vector.shape_cast %swap3A_202 : vector<1x16xf32> to vector<16xf32>
        %swap3A_204 = vector.shape_cast %add3A_198 : vector<16xf32> to vector<1x16xf32>
        tpu.vector_store %arg6[%swap3A_200, %swap3A_201], %swap3A_204 {strides = array<i32>} : memref<8x4096xf32, #tpu.memory_space<vmem>>, vector<1x16xf32>,
        %mul3A_205 = arith.constant 8 : i32
        %mul3A_206 = arith.muli %scan3A_133, %mul3A_205 : i32
        %add3A_207 = arith.constant 4 : i32
        %add3A_208 = arith.addi %mul3A_206, %add3A_207 : i32
        %mul3A_209 = arith.constant 16 : i32
        %mul3A_210 = arith.muli %add3A_208, %mul3A_209 : i32
        %get3A_211 = arith.constant 3 : i32
        %get3A_212 = arith.index_cast %get3A_211 : i32 to index
        %get3A_213 = arith.index_cast %mul3A_210 : i32 to index
        %get3A_214 = tpu.vector_load %arg6[%get3A_212, %get3A_213] {strides = array<i32>} : memref<8x4096xf32, #tpu.memory_space<vmem>>, vector<1x16xf32>,
        %get3A_215 = vector.shape_cast %get3A_214 : vector<1x16xf32> to vector<16xf32>
        %add3A_216 = arith.addf %get3A_215, %reshape3A_65 : vector<16xf32>
        %swap3A_217 = arith.constant 3 : i32
        %swap3A_218 = arith.index_cast %swap3A_217 : i32 to index
        %swap3A_219 = arith.index_cast %mul3A_210 : i32 to index
        %swap3A_220 = tpu.vector_load %arg6[%swap3A_218, %swap3A_219] {strides = array<i32>} : memref<8x4096xf32, #tpu.memory_space<vmem>>, vector<1x16xf32>,
        %swap3A_221 = vector.shape_cast %swap3A_220 : vector<1x16xf32> to vector<16xf32>
        %swap3A_222 = vector.shape_cast %add3A_216 : vector<16xf32> to vector<1x16xf32>
        tpu.vector_store %arg6[%swap3A_218, %swap3A_219], %swap3A_222 {strides = array<i32>} : memref<8x4096xf32, #tpu.memory_space<vmem>>, vector<1x16xf32>,
        %mul3A_223 = arith.constant 8 : i32
        %mul3A_224 = arith.muli %scan3A_133, %mul3A_223 : i32
        %add3A_225 = arith.constant 5 : i32
        %add3A_226 = arith.addi %mul3A_224, %add3A_225 : i32
        %mul3A_227 = arith.constant 16 : i32
        %mul3A_228 = arith.muli %add3A_226, %mul3A_227 : i32
        %get3A_229 = arith.constant 3 : i32
        %get3A_230 = arith.index_cast %get3A_229 : i32 to index
        %get3A_231 = arith.index_cast %mul3A_228 : i32 to index
        %get3A_232 = tpu.vector_load %arg6[%get3A_230, %get3A_231] {strides = array<i32>} : memref<8x4096xf32, #tpu.memory_space<vmem>>, vector<1x16xf32>,
        %get3A_233 = vector.shape_cast %get3A_232 : vector<1x16xf32> to vector<16xf32>
        %add3A_234 = arith.addf %get3A_233, %reshape3A_65 : vector<16xf32>
        %swap3A_235 = arith.constant 3 : i32
        %swap3A_236 = arith.index_cast %swap3A_235 : i32 to index
        %swap3A_237 = arith.index_cast %mul3A_228 : i32 to index
        %swap3A_238 = tpu.vector_load %arg6[%swap3A_236, %swap3A_237] {strides = array<i32>} : memref<8x4096xf32, #tpu.memory_space<vmem>>, vector<1x16xf32>,
        %swap3A_239 = vector.shape_cast %swap3A_238 : vector<1x16xf32> to vector<16xf32>
        %swap3A_240 = vector.shape_cast %add3A_234 : vector<16xf32> to vector<1x16xf32>
        tpu.vector_store %arg6[%swap3A_236, %swap3A_237], %swap3A_240 {strides = array<i32>} : memref<8x4096xf32, #tpu.memory_space<vmem>>, vector<1x16xf32>,
        %mul3A_241 = arith.constant 8 : i32
        %mul3A_242 = arith.muli %scan3A_133, %mul3A_241 : i32
        %add3A_243 = arith.constant 6 : i32
        %add3A_244 = arith.addi %mul3A_242, %add3A_243 : i32
        %mul3A_245 = arith.constant 16 : i32
        %mul3A_246 = arith.muli %add3A_244, %mul3A_245 : i32
        %get3A_247 = arith.constant 3 : i32
        %get3A_248 = arith.index_cast %get3A_247 : i32 to index
        %get3A_249 = arith.index_cast %mul3A_246 : i32 to index
        %get3A_250 = tpu.vector_load %arg6[%get3A_248, %get3A_249] {strides = array<i32>} : memref<8x4096xf32, #tpu.memory_space<vmem>>, vector<1x16xf32>,
        %get3A_251 = vector.shape_cast %get3A_250 : vector<1x16xf32> to vector<16xf32>
        %add3A_252 = arith.addf %get3A_251, %reshape3A_65 : vector<16xf32>
        %swap3A_253 = arith.constant 3 : i32
        %swap3A_254 = arith.index_cast %swap3A_253 : i32 to index
        %swap3A_255 = arith.index_cast %mul3A_246 : i32 to index
        %swap3A_256 = tpu.vector_load %arg6[%swap3A_254, %swap3A_255] {strides = array<i32>} : memref<8x4096xf32, #tpu.memory_space<vmem>>, vector<1x16xf32>,
        %swap3A_257 = vector.shape_cast %swap3A_256 : vector<1x16xf32> to vector<16xf32>
        %swap3A_258 = vector.shape_cast %add3A_252 : vector<16xf32> to vector<1x16xf32>
        tpu.vector_store %arg6[%swap3A_254, %swap3A_255], %swap3A_258 {strides = array<i32>} : memref<8x4096xf32, #tpu.memory_space<vmem>>, vector<1x16xf32>,
        %mul3A_259 = arith.constant 8 : i32
        %mul3A_260 = arith.muli %scan3A_133, %mul3A_259 : i32
        %add3A_261 = arith.constant 7 : i32
        %add3A_262 = arith.addi %mul3A_260, %add3A_261 : i32
        %mul3A_263 = arith.constant 16 : i32
        %mul3A_264 = arith.muli %add3A_262, %mul3A_263 : i32
        %get3A_265 = arith.constant 3 : i32
        %get3A_266 = arith.index_cast %get3A_265 : i32 to index
        %get3A_267 = arith.index_cast %mul3A_264 : i32 to index
        %get3A_268 = tpu.vector_load %arg6[%get3A_266, %get3A_267] {strides = array<i32>} : memref<8x4096xf32, #tpu.memory_space<vmem>>, vector<1x16xf32>,
        %get3A_269 = vector.shape_cast %get3A_268 : vector<1x16xf32> to vector<16xf32>
        %add3A_270 = arith.addf %get3A_269, %reshape3A_65 : vector<16xf32>
        %swap3A_271 = arith.constant 3 : i32
        %swap3A_272 = arith.index_cast %swap3A_271 : i32 to index
        %swap3A_273 = arith.index_cast %mul3A_264 : i32 to index
        %swap3A_274 = tpu.vector_load %arg6[%swap3A_272, %swap3A_273] {strides = array<i32>} : memref<8x4096xf32, #tpu.memory_space<vmem>>, vector<1x16xf32>,
        %swap3A_275 = vector.shape_cast %swap3A_274 : vector<1x16xf32> to vector<16xf32>
        %swap3A_276 = vector.shape_cast %add3A_270 : vector<16xf32> to vector<1x16xf32>
        tpu.vector_store %arg6[%swap3A_272, %swap3A_273], %swap3A_276 {strides = array<i32>} : memref<8x4096xf32, #tpu.memory_space<vmem>>, vector<1x16xf32>,
      }
      %scan3A_71 = arith.constant 32 : i32
      %mul3A_72 = arith.constant 8 : i32
      %mul3A_73 = arith.muli %scan3A_10, %mul3A_72 : i32
      %add3A_74 = arith.constant 4 : i32
      %add3A_75 = arith.addi %mul3A_73, %add3A_74 : i32
      %get3A_76 = arith.index_cast %add3A_75 : i32 to index
      %get3A_77 = arith.constant 0 : index
      %get3A_78 = tpu.vector_load %arg5[%get3A_76, %get3A_77] {strides = array<i32>} : memref<136x16xf32, #tpu.memory_space<vmem>>, vector<1x16xf32>,
      %get3A_79 = vector.shape_cast %get3A_78 : vector<1x16xf32> to vector<1x16xf32>
      %reshape3A_80 = vector.shape_cast %get3A_79 : vector<1x16xf32> to vector<16xf32>
      %scan3A_81 = arith.constant 0 : i32
      %scan3A_82 = arith.constant 0 : i32
      %scan3A_83 = arith.constant 32 : i32
      %scan3A_84 = arith.addi %scan3A_82, %scan3A_83 : i32
      %scan3A_85 = arith.constant 1 : i32
      scf.for %scan3A_133 = %scan3A_82 to %scan3A_84 step %scan3A_85  : i32 {
        %mul3A_134 = arith.constant 8 : i32
        %mul3A_135 = arith.muli %scan3A_133, %mul3A_134 : i32
        %add3A_136 = arith.constant 0 : i32
        %add3A_137 = arith.addi %mul3A_135, %add3A_136 : i32
        %mul3A_138 = arith.constant 16 : i32
        %mul3A_139 = arith.muli %add3A_137, %mul3A_138 : i32
        %get3A_140 = arith.constant 4 : i32
        %get3A_141 = arith.index_cast %get3A_140 : i32 to index
        %get3A_142 = arith.index_cast %mul3A_139 : i32 to index
        %get3A_143 = tpu.vector_load %arg6[%get3A_141, %get3A_142] {strides = array<i32>} : memref<8x4096xf32, #tpu.memory_space<vmem>>, vector<1x16xf32>,
        %get3A_144 = vector.shape_cast %get3A_143 : vector<1x16xf32> to vector<16xf32>
        %add3A_145 = arith.addf %get3A_144, %reshape3A_80 : vector<16xf32>
        %swap3A = arith.constant 4 : i32
        %swap3A_146 = arith.index_cast %swap3A : i32 to index
        %swap3A_147 = arith.index_cast %mul3A_139 : i32 to index
        %swap3A_148 = tpu.vector_load %arg6[%swap3A_146, %swap3A_147] {strides = array<i32>} : memref<8x4096xf32, #tpu.memory_space<vmem>>, vector<1x16xf32>,
        %swap3A_149 = vector.shape_cast %swap3A_148 : vector<1x16xf32> to vector<16xf32>
        %swap3A_150 = vector.shape_cast %add3A_145 : vector<16xf32> to vector<1x16xf32>
        tpu.vector_store %arg6[%swap3A_146, %swap3A_147], %swap3A_150 {strides = array<i32>} : memref<8x4096xf32, #tpu.memory_space<vmem>>, vector<1x16xf32>,
        %mul3A_151 = arith.constant 8 : i32
        %mul3A_152 = arith.muli %scan3A_133, %mul3A_151 : i32
        %add3A_153 = arith.constant 1 : i32
        %add3A_154 = arith.addi %mul3A_152, %add3A_153 : i32
        %mul3A_155 = arith.constant 16 : i32
        %mul3A_156 = arith.muli %add3A_154, %mul3A_155 : i32
        %get3A_157 = arith.constant 4 : i32
        %get3A_158 = arith.index_cast %get3A_157 : i32 to index
        %get3A_159 = arith.index_cast %mul3A_156 : i32 to index
        %get3A_160 = tpu.vector_load %arg6[%get3A_158, %get3A_159] {strides = array<i32>} : memref<8x4096xf32, #tpu.memory_space<vmem>>, vector<1x16xf32>,
        %get3A_161 = vector.shape_cast %get3A_160 : vector<1x16xf32> to vector<16xf32>
        %add3A_162 = arith.addf %get3A_161, %reshape3A_80 : vector<16xf32>
        %swap3A_163 = arith.constant 4 : i32
        %swap3A_164 = arith.index_cast %swap3A_163 : i32 to index
        %swap3A_165 = arith.index_cast %mul3A_156 : i32 to index
        %swap3A_166 = tpu.vector_load %arg6[%swap3A_164, %swap3A_165] {strides = array<i32>} : memref<8x4096xf32, #tpu.memory_space<vmem>>, vector<1x16xf32>,
        %swap3A_167 = vector.shape_cast %swap3A_166 : vector<1x16xf32> to vector<16xf32>
        %swap3A_168 = vector.shape_cast %add3A_162 : vector<16xf32> to vector<1x16xf32>
        tpu.vector_store %arg6[%swap3A_164, %swap3A_165], %swap3A_168 {strides = array<i32>} : memref<8x4096xf32, #tpu.memory_space<vmem>>, vector<1x16xf32>,
        %mul3A_169 = arith.constant 8 : i32
        %mul3A_170 = arith.muli %scan3A_133, %mul3A_169 : i32
        %add3A_171 = arith.constant 2 : i32
        %add3A_172 = arith.addi %mul3A_170, %add3A_171 : i32
        %mul3A_173 = arith.constant 16 : i32
        %mul3A_174 = arith.muli %add3A_172, %mul3A_173 : i32
        %get3A_175 = arith.constant 4 : i32
        %get3A_176 = arith.index_cast %get3A_175 : i32 to index
        %get3A_177 = arith.index_cast %mul3A_174 : i32 to index
        %get3A_178 = tpu.vector_load %arg6[%get3A_176, %get3A_177] {strides = array<i32>} : memref<8x4096xf32, #tpu.memory_space<vmem>>, vector<1x16xf32>,
        %get3A_179 = vector.shape_cast %get3A_178 : vector<1x16xf32> to vector<16xf32>
        %add3A_180 = arith.addf %get3A_179, %reshape3A_80 : vector<16xf32>
        %swap3A_181 = arith.constant 4 : i32
        %swap3A_182 = arith.index_cast %swap3A_181 : i32 to index
        %swap3A_183 = arith.index_cast %mul3A_174 : i32 to index
        %swap3A_184 = tpu.vector_load %arg6[%swap3A_182, %swap3A_183] {strides = array<i32>} : memref<8x4096xf32, #tpu.memory_space<vmem>>, vector<1x16xf32>,
        %swap3A_185 = vector.shape_cast %swap3A_184 : vector<1x16xf32> to vector<16xf32>
        %swap3A_186 = vector.shape_cast %add3A_180 : vector<16xf32> to vector<1x16xf32>
        tpu.vector_store %arg6[%swap3A_182, %swap3A_183], %swap3A_186 {strides = array<i32>} : memref<8x4096xf32, #tpu.memory_space<vmem>>, vector<1x16xf32>,
        %mul3A_187 = arith.constant 8 : i32
        %mul3A_188 = arith.muli %scan3A_133, %mul3A_187 : i32
        %add3A_189 = arith.constant 3 : i32
        %add3A_190 = arith.addi %mul3A_188, %add3A_189 : i32
        %mul3A_191 = arith.constant 16 : i32
        %mul3A_192 = arith.muli %add3A_190, %mul3A_191 : i32
        %get3A_193 = arith.constant 4 : i32
        %get3A_194 = arith.index_cast %get3A_193 : i32 to index
        %get3A_195 = arith.index_cast %mul3A_192 : i32 to index
        %get3A_196 = tpu.vector_load %arg6[%get3A_194, %get3A_195] {strides = array<i32>} : memref<8x4096xf32, #tpu.memory_space<vmem>>, vector<1x16xf32>,
        %get3A_197 = vector.shape_cast %get3A_196 : vector<1x16xf32> to vector<16xf32>
        %add3A_198 = arith.addf %get3A_197, %reshape3A_80 : vector<16xf32>
        %swap3A_199 = arith.constant 4 : i32
        %swap3A_200 = arith.index_cast %swap3A_199 : i32 to index
        %swap3A_201 = arith.index_cast %mul3A_192 : i32 to index
        %swap3A_202 = tpu.vector_load %arg6[%swap3A_200, %swap3A_201] {strides = array<i32>} : memref<8x4096xf32, #tpu.memory_space<vmem>>, vector<1x16xf32>,
        %swap3A_203 = vector.shape_cast %swap3A_202 : vector<1x16xf32> to vector<16xf32>
        %swap3A_204 = vector.shape_cast %add3A_198 : vector<16xf32> to vector<1x16xf32>
        tpu.vector_store %arg6[%swap3A_200, %swap3A_201], %swap3A_204 {strides = array<i32>} : memref<8x4096xf32, #tpu.memory_space<vmem>>, vector<1x16xf32>,
        %mul3A_205 = arith.constant 8 : i32
        %mul3A_206 = arith.muli %scan3A_133, %mul3A_205 : i32
        %add3A_207 = arith.constant 4 : i32
        %add3A_208 = arith.addi %mul3A_206, %add3A_207 : i32
        %mul3A_209 = arith.constant 16 : i32
        %mul3A_210 = arith.muli %add3A_208, %mul3A_209 : i32
        %get3A_211 = arith.constant 4 : i32
        %get3A_212 = arith.index_cast %get3A_211 : i32 to index
        %get3A_213 = arith.index_cast %mul3A_210 : i32 to index
        %get3A_214 = tpu.vector_load %arg6[%get3A_212, %get3A_213] {strides = array<i32>} : memref<8x4096xf32, #tpu.memory_space<vmem>>, vector<1x16xf32>,
        %get3A_215 = vector.shape_cast %get3A_214 : vector<1x16xf32> to vector<16xf32>
        %add3A_216 = arith.addf %get3A_215, %reshape3A_80 : vector<16xf32>
        %swap3A_217 = arith.constant 4 : i32
        %swap3A_218 = arith.index_cast %swap3A_217 : i32 to index
        %swap3A_219 = arith.index_cast %mul3A_210 : i32 to index
        %swap3A_220 = tpu.vector_load %arg6[%swap3A_218, %swap3A_219] {strides = array<i32>} : memref<8x4096xf32, #tpu.memory_space<vmem>>, vector<1x16xf32>,
        %swap3A_221 = vector.shape_cast %swap3A_220 : vector<1x16xf32> to vector<16xf32>
        %swap3A_222 = vector.shape_cast %add3A_216 : vector<16xf32> to vector<1x16xf32>
        tpu.vector_store %arg6[%swap3A_218, %swap3A_219], %swap3A_222 {strides = array<i32>} : memref<8x4096xf32, #tpu.memory_space<vmem>>, vector<1x16xf32>,
        %mul3A_223 = arith.constant 8 : i32
        %mul3A_224 = arith.muli %scan3A_133, %mul3A_223 : i32
        %add3A_225 = arith.constant 5 : i32
        %add3A_226 = arith.addi %mul3A_224, %add3A_225 : i32
        %mul3A_227 = arith.constant 16 : i32
        %mul3A_228 = arith.muli %add3A_226, %mul3A_227 : i32
        %get3A_229 = arith.constant 4 : i32
        %get3A_230 = arith.index_cast %get3A_229 : i32 to index
        %get3A_231 = arith.index_cast %mul3A_228 : i32 to index
        %get3A_232 = tpu.vector_load %arg6[%get3A_230, %get3A_231] {strides = array<i32>} : memref<8x4096xf32, #tpu.memory_space<vmem>>, vector<1x16xf32>,
        %get3A_233 = vector.shape_cast %get3A_232 : vector<1x16xf32> to vector<16xf32>
        %add3A_234 = arith.addf %get3A_233, %reshape3A_80 : vector<16xf32>
        %swap3A_235 = arith.constant 4 : i32
        %swap3A_236 = arith.index_cast %swap3A_235 : i32 to index
        %swap3A_237 = arith.index_cast %mul3A_228 : i32 to index
        %swap3A_238 = tpu.vector_load %arg6[%swap3A_236, %swap3A_237] {strides = array<i32>} : memref<8x4096xf32, #tpu.memory_space<vmem>>, vector<1x16xf32>,
        %swap3A_239 = vector.shape_cast %swap3A_238 : vector<1x16xf32> to vector<16xf32>
        %swap3A_240 = vector.shape_cast %add3A_234 : vector<16xf32> to vector<1x16xf32>
        tpu.vector_store %arg6[%swap3A_236, %swap3A_237], %swap3A_240 {strides = array<i32>} : memref<8x4096xf32, #tpu.memory_space<vmem>>, vector<1x16xf32>,
        %mul3A_241 = arith.constant 8 : i32
        %mul3A_242 = arith.muli %scan3A_133, %mul3A_241 : i32
        %add3A_243 = arith.constant 6 : i32
        %add3A_244 = arith.addi %mul3A_242, %add3A_243 : i32
        %mul3A_245 = arith.constant 16 : i32
        %mul3A_246 = arith.muli %add3A_244, %mul3A_245 : i32
        %get3A_247 = arith.constant 4 : i32
        %get3A_248 = arith.index_cast %get3A_247 : i32 to index
        %get3A_249 = arith.index_cast %mul3A_246 : i32 to index
        %get3A_250 = tpu.vector_load %arg6[%get3A_248, %get3A_249] {strides = array<i32>} : memref<8x4096xf32, #tpu.memory_space<vmem>>, vector<1x16xf32>,
        %get3A_251 = vector.shape_cast %get3A_250 : vector<1x16xf32> to vector<16xf32>
        %add3A_252 = arith.addf %get3A_251, %reshape3A_80 : vector<16xf32>
        %swap3A_253 = arith.constant 4 : i32
        %swap3A_254 = arith.index_cast %swap3A_253 : i32 to index
        %swap3A_255 = arith.index_cast %mul3A_246 : i32 to index
        %swap3A_256 = tpu.vector_load %arg6[%swap3A_254, %swap3A_255] {strides = array<i32>} : memref<8x4096xf32, #tpu.memory_space<vmem>>, vector<1x16xf32>,
        %swap3A_257 = vector.shape_cast %swap3A_256 : vector<1x16xf32> to vector<16xf32>
        %swap3A_258 = vector.shape_cast %add3A_252 : vector<16xf32> to vector<1x16xf32>
        tpu.vector_store %arg6[%swap3A_254, %swap3A_255], %swap3A_258 {strides = array<i32>} : memref<8x4096xf32, #tpu.memory_space<vmem>>, vector<1x16xf32>,
        %mul3A_259 = arith.constant 8 : i32
        %mul3A_260 = arith.muli %scan3A_133, %mul3A_259 : i32
        %add3A_261 = arith.constant 7 : i32
        %add3A_262 = arith.addi %mul3A_260, %add3A_261 : i32
        %mul3A_263 = arith.constant 16 : i32
        %mul3A_264 = arith.muli %add3A_262, %mul3A_263 : i32
        %get3A_265 = arith.constant 4 : i32
        %get3A_266 = arith.index_cast %get3A_265 : i32 to index
        %get3A_267 = arith.index_cast %mul3A_264 : i32 to index
        %get3A_268 = tpu.vector_load %arg6[%get3A_266, %get3A_267] {strides = array<i32>} : memref<8x4096xf32, #tpu.memory_space<vmem>>, vector<1x16xf32>,
        %get3A_269 = vector.shape_cast %get3A_268 : vector<1x16xf32> to vector<16xf32>
        %add3A_270 = arith.addf %get3A_269, %reshape3A_80 : vector<16xf32>
        %swap3A_271 = arith.constant 4 : i32
        %swap3A_272 = arith.index_cast %swap3A_271 : i32 to index
        %swap3A_273 = arith.index_cast %mul3A_264 : i32 to index
        %swap3A_274 = tpu.vector_load %arg6[%swap3A_272, %swap3A_273] {strides = array<i32>} : memref<8x4096xf32, #tpu.memory_space<vmem>>, vector<1x16xf32>,
        %swap3A_275 = vector.shape_cast %swap3A_274 : vector<1x16xf32> to vector<16xf32>
        %swap3A_276 = vector.shape_cast %add3A_270 : vector<16xf32> to vector<1x16xf32>
        tpu.vector_store %arg6[%swap3A_272, %swap3A_273], %swap3A_276 {strides = array<i32>} : memref<8x4096xf32, #tpu.memory_space<vmem>>, vector<1x16xf32>,
      }
      %scan3A_86 = arith.constant 32 : i32
      %mul3A_87 = arith.constant 8 : i32
      %mul3A_88 = arith.muli %scan3A_10, %mul3A_87 : i32
      %add3A_89 = arith.constant 5 : i32
      %add3A_90 = arith.addi %mul3A_88, %add3A_89 : i32
      %get3A_91 = arith.index_cast %add3A_90 : i32 to index
      %get3A_92 = arith.constant 0 : index
      %get3A_93 = tpu.vector_load %arg5[%get3A_91, %get3A_92] {strides = array<i32>} : memref<136x16xf32, #tpu.memory_space<vmem>>, vector<1x16xf32>,
      %get3A_94 = vector.shape_cast %get3A_93 : vector<1x16xf32> to vector<1x16xf32>
      %reshape3A_95 = vector.shape_cast %get3A_94 : vector<1x16xf32> to vector<16xf32>
      %scan3A_96 = arith.constant 0 : i32
      %scan3A_97 = arith.constant 0 : i32
      %scan3A_98 = arith.constant 32 : i32
      %scan3A_99 = arith.addi %scan3A_97, %scan3A_98 : i32
      %scan3A_100 = arith.constant 1 : i32
      scf.for %scan3A_133 = %scan3A_97 to %scan3A_99 step %scan3A_100  : i32 {
        %mul3A_134 = arith.constant 8 : i32
        %mul3A_135 = arith.muli %scan3A_133, %mul3A_134 : i32
        %add3A_136 = arith.constant 0 : i32
        %add3A_137 = arith.addi %mul3A_135, %add3A_136 : i32
        %mul3A_138 = arith.constant 16 : i32
        %mul3A_139 = arith.muli %add3A_137, %mul3A_138 : i32
        %get3A_140 = arith.constant 5 : i32
        %get3A_141 = arith.index_cast %get3A_140 : i32 to index
        %get3A_142 = arith.index_cast %mul3A_139 : i32 to index
        %get3A_143 = tpu.vector_load %arg6[%get3A_141, %get3A_142] {strides = array<i32>} : memref<8x4096xf32, #tpu.memory_space<vmem>>, vector<1x16xf32>,
        %get3A_144 = vector.shape_cast %get3A_143 : vector<1x16xf32> to vector<16xf32>
        %add3A_145 = arith.addf %get3A_144, %reshape3A_95 : vector<16xf32>
        %swap3A = arith.constant 5 : i32
        %swap3A_146 = arith.index_cast %swap3A : i32 to index
        %swap3A_147 = arith.index_cast %mul3A_139 : i32 to index
        %swap3A_148 = tpu.vector_load %arg6[%swap3A_146, %swap3A_147] {strides = array<i32>} : memref<8x4096xf32, #tpu.memory_space<vmem>>, vector<1x16xf32>,
        %swap3A_149 = vector.shape_cast %swap3A_148 : vector<1x16xf32> to vector<16xf32>
        %swap3A_150 = vector.shape_cast %add3A_145 : vector<16xf32> to vector<1x16xf32>
        tpu.vector_store %arg6[%swap3A_146, %swap3A_147], %swap3A_150 {strides = array<i32>} : memref<8x4096xf32, #tpu.memory_space<vmem>>, vector<1x16xf32>,
        %mul3A_151 = arith.constant 8 : i32
        %mul3A_152 = arith.muli %scan3A_133, %mul3A_151 : i32
        %add3A_153 = arith.constant 1 : i32
        %add3A_154 = arith.addi %mul3A_152, %add3A_153 : i32
        %mul3A_155 = arith.constant 16 : i32
        %mul3A_156 = arith.muli %add3A_154, %mul3A_155 : i32
        %get3A_157 = arith.constant 5 : i32
        %get3A_158 = arith.index_cast %get3A_157 : i32 to index
        %get3A_159 = arith.index_cast %mul3A_156 : i32 to index
        %get3A_160 = tpu.vector_load %arg6[%get3A_158, %get3A_159] {strides = array<i32>} : memref<8x4096xf32, #tpu.memory_space<vmem>>, vector<1x16xf32>,
        %get3A_161 = vector.shape_cast %get3A_160 : vector<1x16xf32> to vector<16xf32>
        %add3A_162 = arith.addf %get3A_161, %reshape3A_95 : vector<16xf32>
        %swap3A_163 = arith.constant 5 : i32
        %swap3A_164 = arith.index_cast %swap3A_163 : i32 to index
        %swap3A_165 = arith.index_cast %mul3A_156 : i32 to index
        %swap3A_166 = tpu.vector_load %arg6[%swap3A_164, %swap3A_165] {strides = array<i32>} : memref<8x4096xf32, #tpu.memory_space<vmem>>, vector<1x16xf32>,
        %swap3A_167 = vector.shape_cast %swap3A_166 : vector<1x16xf32> to vector<16xf32>
        %swap3A_168 = vector.shape_cast %add3A_162 : vector<16xf32> to vector<1x16xf32>
        tpu.vector_store %arg6[%swap3A_164, %swap3A_165], %swap3A_168 {strides = array<i32>} : memref<8x4096xf32, #tpu.memory_space<vmem>>, vector<1x16xf32>,
        %mul3A_169 = arith.constant 8 : i32
        %mul3A_170 = arith.muli %scan3A_133, %mul3A_169 : i32
        %add3A_171 = arith.constant 2 : i32
        %add3A_172 = arith.addi %mul3A_170, %add3A_171 : i32
        %mul3A_173 = arith.constant 16 : i32
        %mul3A_174 = arith.muli %add3A_172, %mul3A_173 : i32
        %get3A_175 = arith.constant 5 : i32
        %get3A_176 = arith.index_cast %get3A_175 : i32 to index
        %get3A_177 = arith.index_cast %mul3A_174 : i32 to index
        %get3A_178 = tpu.vector_load %arg6[%get3A_176, %get3A_177] {strides = array<i32>} : memref<8x4096xf32, #tpu.memory_space<vmem>>, vector<1x16xf32>,
        %get3A_179 = vector.shape_cast %get3A_178 : vector<1x16xf32> to vector<16xf32>
        %add3A_180 = arith.addf %get3A_179, %reshape3A_95 : vector<16xf32>
        %swap3A_181 = arith.constant 5 : i32
        %swap3A_182 = arith.index_cast %swap3A_181 : i32 to index
        %swap3A_183 = arith.index_cast %mul3A_174 : i32 to index
        %swap3A_184 = tpu.vector_load %arg6[%swap3A_182, %swap3A_183] {strides = array<i32>} : memref<8x4096xf32, #tpu.memory_space<vmem>>, vector<1x16xf32>,
        %swap3A_185 = vector.shape_cast %swap3A_184 : vector<1x16xf32> to vector<16xf32>
        %swap3A_186 = vector.shape_cast %add3A_180 : vector<16xf32> to vector<1x16xf32>
        tpu.vector_store %arg6[%swap3A_182, %swap3A_183], %swap3A_186 {strides = array<i32>} : memref<8x4096xf32, #tpu.memory_space<vmem>>, vector<1x16xf32>,
        %mul3A_187 = arith.constant 8 : i32
        %mul3A_188 = arith.muli %scan3A_133, %mul3A_187 : i32
        %add3A_189 = arith.constant 3 : i32
        %add3A_190 = arith.addi %mul3A_188, %add3A_189 : i32
        %mul3A_191 = arith.constant 16 : i32
        %mul3A_192 = arith.muli %add3A_190, %mul3A_191 : i32
        %get3A_193 = arith.constant 5 : i32
        %get3A_194 = arith.index_cast %get3A_193 : i32 to index
        %get3A_195 = arith.index_cast %mul3A_192 : i32 to index
        %get3A_196 = tpu.vector_load %arg6[%get3A_194, %get3A_195] {strides = array<i32>} : memref<8x4096xf32, #tpu.memory_space<vmem>>, vector<1x16xf32>,
        %get3A_197 = vector.shape_cast %get3A_196 : vector<1x16xf32> to vector<16xf32>
        %add3A_198 = arith.addf %get3A_197, %reshape3A_95 : vector<16xf32>
        %swap3A_199 = arith.constant 5 : i32
        %swap3A_200 = arith.index_cast %swap3A_199 : i32 to index
        %swap3A_201 = arith.index_cast %mul3A_192 : i32 to index
        %swap3A_202 = tpu.vector_load %arg6[%swap3A_200, %swap3A_201] {strides = array<i32>} : memref<8x4096xf32, #tpu.memory_space<vmem>>, vector<1x16xf32>,
        %swap3A_203 = vector.shape_cast %swap3A_202 : vector<1x16xf32> to vector<16xf32>
        %swap3A_204 = vector.shape_cast %add3A_198 : vector<16xf32> to vector<1x16xf32>
        tpu.vector_store %arg6[%swap3A_200, %swap3A_201], %swap3A_204 {strides = array<i32>} : memref<8x4096xf32, #tpu.memory_space<vmem>>, vector<1x16xf32>,
        %mul3A_205 = arith.constant 8 : i32
        %mul3A_206 = arith.muli %scan3A_133, %mul3A_205 : i32
        %add3A_207 = arith.constant 4 : i32
        %add3A_208 = arith.addi %mul3A_206, %add3A_207 : i32
        %mul3A_209 = arith.constant 16 : i32
        %mul3A_210 = arith.muli %add3A_208, %mul3A_209 : i32
        %get3A_211 = arith.constant 5 : i32
        %get3A_212 = arith.index_cast %get3A_211 : i32 to index
        %get3A_213 = arith.index_cast %mul3A_210 : i32 to index
        %get3A_214 = tpu.vector_load %arg6[%get3A_212, %get3A_213] {strides = array<i32>} : memref<8x4096xf32, #tpu.memory_space<vmem>>, vector<1x16xf32>,
        %get3A_215 = vector.shape_cast %get3A_214 : vector<1x16xf32> to vector<16xf32>
        %add3A_216 = arith.addf %get3A_215, %reshape3A_95 : vector<16xf32>
        %swap3A_217 = arith.constant 5 : i32
        %swap3A_218 = arith.index_cast %swap3A_217 : i32 to index
        %swap3A_219 = arith.index_cast %mul3A_210 : i32 to index
        %swap3A_220 = tpu.vector_load %arg6[%swap3A_218, %swap3A_219] {strides = array<i32>} : memref<8x4096xf32, #tpu.memory_space<vmem>>, vector<1x16xf32>,
        %swap3A_221 = vector.shape_cast %swap3A_220 : vector<1x16xf32> to vector<16xf32>
        %swap3A_222 = vector.shape_cast %add3A_216 : vector<16xf32> to vector<1x16xf32>
        tpu.vector_store %arg6[%swap3A_218, %swap3A_219], %swap3A_222 {strides = array<i32>} : memref<8x4096xf32, #tpu.memory_space<vmem>>, vector<1x16xf32>,
        %mul3A_223 = arith.constant 8 : i32
        %mul3A_224 = arith.muli %scan3A_133, %mul3A_223 : i32
        %add3A_225 = arith.constant 5 : i32
        %add3A_226 = arith.addi %mul3A_224, %add3A_225 : i32
        %mul3A_227 = arith.constant 16 : i32
        %mul3A_228 = arith.muli %add3A_226, %mul3A_227 : i32
        %get3A_229 = arith.constant 5 : i32
        %get3A_230 = arith.index_cast %get3A_229 : i32 to index
        %get3A_231 = arith.index_cast %mul3A_228 : i32 to index
        %get3A_232 = tpu.vector_load %arg6[%get3A_230, %get3A_231] {strides = array<i32>} : memref<8x4096xf32, #tpu.memory_space<vmem>>, vector<1x16xf32>,
        %get3A_233 = vector.shape_cast %get3A_232 : vector<1x16xf32> to vector<16xf32>
        %add3A_234 = arith.addf %get3A_233, %reshape3A_95 : vector<16xf32>
        %swap3A_235 = arith.constant 5 : i32
        %swap3A_236 = arith.index_cast %swap3A_235 : i32 to index
        %swap3A_237 = arith.index_cast %mul3A_228 : i32 to index
        %swap3A_238 = tpu.vector_load %arg6[%swap3A_236, %swap3A_237] {strides = array<i32>} : memref<8x4096xf32, #tpu.memory_space<vmem>>, vector<1x16xf32>,
        %swap3A_239 = vector.shape_cast %swap3A_238 : vector<1x16xf32> to vector<16xf32>
        %swap3A_240 = vector.shape_cast %add3A_234 : vector<16xf32> to vector<1x16xf32>
        tpu.vector_store %arg6[%swap3A_236, %swap3A_237], %swap3A_240 {strides = array<i32>} : memref<8x4096xf32, #tpu.memory_space<vmem>>, vector<1x16xf32>,
        %mul3A_241 = arith.constant 8 : i32
        %mul3A_242 = arith.muli %scan3A_133, %mul3A_241 : i32
        %add3A_243 = arith.constant 6 : i32
        %add3A_244 = arith.addi %mul3A_242, %add3A_243 : i32
        %mul3A_245 = arith.constant 16 : i32
        %mul3A_246 = arith.muli %add3A_244, %mul3A_245 : i32
        %get3A_247 = arith.constant 5 : i32
        %get3A_248 = arith.index_cast %get3A_247 : i32 to index
        %get3A_249 = arith.index_cast %mul3A_246 : i32 to index
        %get3A_250 = tpu.vector_load %arg6[%get3A_248, %get3A_249] {strides = array<i32>} : memref<8x4096xf32, #tpu.memory_space<vmem>>, vector<1x16xf32>,
        %get3A_251 = vector.shape_cast %get3A_250 : vector<1x16xf32> to vector<16xf32>
        %add3A_252 = arith.addf %get3A_251, %reshape3A_95 : vector<16xf32>
        %swap3A_253 = arith.constant 5 : i32
        %swap3A_254 = arith.index_cast %swap3A_253 : i32 to index
        %swap3A_255 = arith.index_cast %mul3A_246 : i32 to index
        %swap3A_256 = tpu.vector_load %arg6[%swap3A_254, %swap3A_255] {strides = array<i32>} : memref<8x4096xf32, #tpu.memory_space<vmem>>, vector<1x16xf32>,
        %swap3A_257 = vector.shape_cast %swap3A_256 : vector<1x16xf32> to vector<16xf32>
        %swap3A_258 = vector.shape_cast %add3A_252 : vector<16xf32> to vector<1x16xf32>
        tpu.vector_store %arg6[%swap3A_254, %swap3A_255], %swap3A_258 {strides = array<i32>} : memref<8x4096xf32, #tpu.memory_space<vmem>>, vector<1x16xf32>,
        %mul3A_259 = arith.constant 8 : i32
        %mul3A_260 = arith.muli %scan3A_133, %mul3A_259 : i32
        %add3A_261 = arith.constant 7 : i32
        %add3A_262 = arith.addi %mul3A_260, %add3A_261 : i32
        %mul3A_263 = arith.constant 16 : i32
        %mul3A_264 = arith.muli %add3A_262, %mul3A_263 : i32
        %get3A_265 = arith.constant 5 : i32
        %get3A_266 = arith.index_cast %get3A_265 : i32 to index
        %get3A_267 = arith.index_cast %mul3A_264 : i32 to index
        %get3A_268 = tpu.vector_load %arg6[%get3A_266, %get3A_267] {strides = array<i32>} : memref<8x4096xf32, #tpu.memory_space<vmem>>, vector<1x16xf32>,
        %get3A_269 = vector.shape_cast %get3A_268 : vector<1x16xf32> to vector<16xf32>
        %add3A_270 = arith.addf %get3A_269, %reshape3A_95 : vector<16xf32>
        %swap3A_271 = arith.constant 5 : i32
        %swap3A_272 = arith.index_cast %swap3A_271 : i32 to index
        %swap3A_273 = arith.index_cast %mul3A_264 : i32 to index
        %swap3A_274 = tpu.vector_load %arg6[%swap3A_272, %swap3A_273] {strides = array<i32>} : memref<8x4096xf32, #tpu.memory_space<vmem>>, vector<1x16xf32>,
        %swap3A_275 = vector.shape_cast %swap3A_274 : vector<1x16xf32> to vector<16xf32>
        %swap3A_276 = vector.shape_cast %add3A_270 : vector<16xf32> to vector<1x16xf32>
        tpu.vector_store %arg6[%swap3A_272, %swap3A_273], %swap3A_276 {strides = array<i32>} : memref<8x4096xf32, #tpu.memory_space<vmem>>, vector<1x16xf32>,
      }
      %scan3A_101 = arith.constant 32 : i32
      %mul3A_102 = arith.constant 8 : i32
      %mul3A_103 = arith.muli %scan3A_10, %mul3A_102 : i32
      %add3A_104 = arith.constant 6 : i32
      %add3A_105 = arith.addi %mul3A_103, %add3A_104 : i32
      %get3A_106 = arith.index_cast %add3A_105 : i32 to index
      %get3A_107 = arith.constant 0 : index
      %get3A_108 = tpu.vector_load %arg5[%get3A_106, %get3A_107] {strides = array<i32>} : memref<136x16xf32, #tpu.memory_space<vmem>>, vector<1x16xf32>,
      %get3A_109 = vector.shape_cast %get3A_108 : vector<1x16xf32> to vector<1x16xf32>
      %reshape3A_110 = vector.shape_cast %get3A_109 : vector<1x16xf32> to vector<16xf32>
      %scan3A_111 = arith.constant 0 : i32
      %scan3A_112 = arith.constant 0 : i32
      %scan3A_113 = arith.constant 32 : i32
      %scan3A_114 = arith.addi %scan3A_112, %scan3A_113 : i32
      %scan3A_115 = arith.constant 1 : i32
      scf.for %scan3A_133 = %scan3A_112 to %scan3A_114 step %scan3A_115  : i32 {
        %mul3A_134 = arith.constant 8 : i32
        %mul3A_135 = arith.muli %scan3A_133, %mul3A_134 : i32
        %add3A_136 = arith.constant 0 : i32
        %add3A_137 = arith.addi %mul3A_135, %add3A_136 : i32
        %mul3A_138 = arith.constant 16 : i32
        %mul3A_139 = arith.muli %add3A_137, %mul3A_138 : i32
        %get3A_140 = arith.constant 6 : i32
        %get3A_141 = arith.index_cast %get3A_140 : i32 to index
        %get3A_142 = arith.index_cast %mul3A_139 : i32 to index
        %get3A_143 = tpu.vector_load %arg6[%get3A_141, %get3A_142] {strides = array<i32>} : memref<8x4096xf32, #tpu.memory_space<vmem>>, vector<1x16xf32>,
        %get3A_144 = vector.shape_cast %get3A_143 : vector<1x16xf32> to vector<16xf32>
        %add3A_145 = arith.addf %get3A_144, %reshape3A_110 : vector<16xf32>
        %swap3A = arith.constant 6 : i32
        %swap3A_146 = arith.index_cast %swap3A : i32 to index
        %swap3A_147 = arith.index_cast %mul3A_139 : i32 to index
        %swap3A_148 = tpu.vector_load %arg6[%swap3A_146, %swap3A_147] {strides = array<i32>} : memref<8x4096xf32, #tpu.memory_space<vmem>>, vector<1x16xf32>,
        %swap3A_149 = vector.shape_cast %swap3A_148 : vector<1x16xf32> to vector<16xf32>
        %swap3A_150 = vector.shape_cast %add3A_145 : vector<16xf32> to vector<1x16xf32>
        tpu.vector_store %arg6[%swap3A_146, %swap3A_147], %swap3A_150 {strides = array<i32>} : memref<8x4096xf32, #tpu.memory_space<vmem>>, vector<1x16xf32>,
        %mul3A_151 = arith.constant 8 : i32
        %mul3A_152 = arith.muli %scan3A_133, %mul3A_151 : i32
        %add3A_153 = arith.constant 1 : i32
        %add3A_154 = arith.addi %mul3A_152, %add3A_153 : i32
        %mul3A_155 = arith.constant 16 : i32
        %mul3A_156 = arith.muli %add3A_154, %mul3A_155 : i32
        %get3A_157 = arith.constant 6 : i32
        %get3A_158 = arith.index_cast %get3A_157 : i32 to index
        %get3A_159 = arith.index_cast %mul3A_156 : i32 to index
        %get3A_160 = tpu.vector_load %arg6[%get3A_158, %get3A_159] {strides = array<i32>} : memref<8x4096xf32, #tpu.memory_space<vmem>>, vector<1x16xf32>,
        %get3A_161 = vector.shape_cast %get3A_160 : vector<1x16xf32> to vector<16xf32>
        %add3A_162 = arith.addf %get3A_161, %reshape3A_110 : vector<16xf32>
        %swap3A_163 = arith.constant 6 : i32
        %swap3A_164 = arith.index_cast %swap3A_163 : i32 to index
        %swap3A_165 = arith.index_cast %mul3A_156 : i32 to index
        %swap3A_166 = tpu.vector_load %arg6[%swap3A_164, %swap3A_165] {strides = array<i32>} : memref<8x4096xf32, #tpu.memory_space<vmem>>, vector<1x16xf32>,
        %swap3A_167 = vector.shape_cast %swap3A_166 : vector<1x16xf32> to vector<16xf32>
        %swap3A_168 = vector.shape_cast %add3A_162 : vector<16xf32> to vector<1x16xf32>
        tpu.vector_store %arg6[%swap3A_164, %swap3A_165], %swap3A_168 {strides = array<i32>} : memref<8x4096xf32, #tpu.memory_space<vmem>>, vector<1x16xf32>,
        %mul3A_169 = arith.constant 8 : i32
        %mul3A_170 = arith.muli %scan3A_133, %mul3A_169 : i32
        %add3A_171 = arith.constant 2 : i32
        %add3A_172 = arith.addi %mul3A_170, %add3A_171 : i32
        %mul3A_173 = arith.constant 16 : i32
        %mul3A_174 = arith.muli %add3A_172, %mul3A_173 : i32
        %get3A_175 = arith.constant 6 : i32
        %get3A_176 = arith.index_cast %get3A_175 : i32 to index
        %get3A_177 = arith.index_cast %mul3A_174 : i32 to index
        %get3A_178 = tpu.vector_load %arg6[%get3A_176, %get3A_177] {strides = array<i32>} : memref<8x4096xf32, #tpu.memory_space<vmem>>, vector<1x16xf32>,
        %get3A_179 = vector.shape_cast %get3A_178 : vector<1x16xf32> to vector<16xf32>
        %add3A_180 = arith.addf %get3A_179, %reshape3A_110 : vector<16xf32>
        %swap3A_181 = arith.constant 6 : i32
        %swap3A_182 = arith.index_cast %swap3A_181 : i32 to index
        %swap3A_183 = arith.index_cast %mul3A_174 : i32 to index
        %swap3A_184 = tpu.vector_load %arg6[%swap3A_182, %swap3A_183] {strides = array<i32>} : memref<8x4096xf32, #tpu.memory_space<vmem>>, vector<1x16xf32>,
        %swap3A_185 = vector.shape_cast %swap3A_184 : vector<1x16xf32> to vector<16xf32>
        %swap3A_186 = vector.shape_cast %add3A_180 : vector<16xf32> to vector<1x16xf32>
        tpu.vector_store %arg6[%swap3A_182, %swap3A_183], %swap3A_186 {strides = array<i32>} : memref<8x4096xf32, #tpu.memory_space<vmem>>, vector<1x16xf32>,
        %mul3A_187 = arith.constant 8 : i32
        %mul3A_188 = arith.muli %scan3A_133, %mul3A_187 : i32
        %add3A_189 = arith.constant 3 : i32
        %add3A_190 = arith.addi %mul3A_188, %add3A_189 : i32
        %mul3A_191 = arith.constant 16 : i32
        %mul3A_192 = arith.muli %add3A_190, %mul3A_191 : i32
        %get3A_193 = arith.constant 6 : i32
        %get3A_194 = arith.index_cast %get3A_193 : i32 to index
        %get3A_195 = arith.index_cast %mul3A_192 : i32 to index
        %get3A_196 = tpu.vector_load %arg6[%get3A_194, %get3A_195] {strides = array<i32>} : memref<8x4096xf32, #tpu.memory_space<vmem>>, vector<1x16xf32>,
        %get3A_197 = vector.shape_cast %get3A_196 : vector<1x16xf32> to vector<16xf32>
        %add3A_198 = arith.addf %get3A_197, %reshape3A_110 : vector<16xf32>
        %swap3A_199 = arith.constant 6 : i32
        %swap3A_200 = arith.index_cast %swap3A_199 : i32 to index
        %swap3A_201 = arith.index_cast %mul3A_192 : i32 to index
        %swap3A_202 = tpu.vector_load %arg6[%swap3A_200, %swap3A_201] {strides = array<i32>} : memref<8x4096xf32, #tpu.memory_space<vmem>>, vector<1x16xf32>,
        %swap3A_203 = vector.shape_cast %swap3A_202 : vector<1x16xf32> to vector<16xf32>
        %swap3A_204 = vector.shape_cast %add3A_198 : vector<16xf32> to vector<1x16xf32>
        tpu.vector_store %arg6[%swap3A_200, %swap3A_201], %swap3A_204 {strides = array<i32>} : memref<8x4096xf32, #tpu.memory_space<vmem>>, vector<1x16xf32>,
        %mul3A_205 = arith.constant 8 : i32
        %mul3A_206 = arith.muli %scan3A_133, %mul3A_205 : i32
        %add3A_207 = arith.constant 4 : i32
        %add3A_208 = arith.addi %mul3A_206, %add3A_207 : i32
        %mul3A_209 = arith.constant 16 : i32
        %mul3A_210 = arith.muli %add3A_208, %mul3A_209 : i32
        %get3A_211 = arith.constant 6 : i32
        %get3A_212 = arith.index_cast %get3A_211 : i32 to index
        %get3A_213 = arith.index_cast %mul3A_210 : i32 to index
        %get3A_214 = tpu.vector_load %arg6[%get3A_212, %get3A_213] {strides = array<i32>} : memref<8x4096xf32, #tpu.memory_space<vmem>>, vector<1x16xf32>,
        %get3A_215 = vector.shape_cast %get3A_214 : vector<1x16xf32> to vector<16xf32>
        %add3A_216 = arith.addf %get3A_215, %reshape3A_110 : vector<16xf32>
        %swap3A_217 = arith.constant 6 : i32
        %swap3A_218 = arith.index_cast %swap3A_217 : i32 to index
        %swap3A_219 = arith.index_cast %mul3A_210 : i32 to index
        %swap3A_220 = tpu.vector_load %arg6[%swap3A_218, %swap3A_219] {strides = array<i32>} : memref<8x4096xf32, #tpu.memory_space<vmem>>, vector<1x16xf32>,
        %swap3A_221 = vector.shape_cast %swap3A_220 : vector<1x16xf32> to vector<16xf32>
        %swap3A_222 = vector.shape_cast %add3A_216 : vector<16xf32> to vector<1x16xf32>
        tpu.vector_store %arg6[%swap3A_218, %swap3A_219], %swap3A_222 {strides = array<i32>} : memref<8x4096xf32, #tpu.memory_space<vmem>>, vector<1x16xf32>,
        %mul3A_223 = arith.constant 8 : i32
        %mul3A_224 = arith.muli %scan3A_133, %mul3A_223 : i32
        %add3A_225 = arith.constant 5 : i32
        %add3A_226 = arith.addi %mul3A_224, %add3A_225 : i32
        %mul3A_227 = arith.constant 16 : i32
        %mul3A_228 = arith.muli %add3A_226, %mul3A_227 : i32
        %get3A_229 = arith.constant 6 : i32
        %get3A_230 = arith.index_cast %get3A_229 : i32 to index
        %get3A_231 = arith.index_cast %mul3A_228 : i32 to index
        %get3A_232 = tpu.vector_load %arg6[%get3A_230, %get3A_231] {strides = array<i32>} : memref<8x4096xf32, #tpu.memory_space<vmem>>, vector<1x16xf32>,
        %get3A_233 = vector.shape_cast %get3A_232 : vector<1x16xf32> to vector<16xf32>
        %add3A_234 = arith.addf %get3A_233, %reshape3A_110 : vector<16xf32>
        %swap3A_235 = arith.constant 6 : i32
        %swap3A_236 = arith.index_cast %swap3A_235 : i32 to index
        %swap3A_237 = arith.index_cast %mul3A_228 : i32 to index
        %swap3A_238 = tpu.vector_load %arg6[%swap3A_236, %swap3A_237] {strides = array<i32>} : memref<8x4096xf32, #tpu.memory_space<vmem>>, vector<1x16xf32>,
        %swap3A_239 = vector.shape_cast %swap3A_238 : vector<1x16xf32> to vector<16xf32>
        %swap3A_240 = vector.shape_cast %add3A_234 : vector<16xf32> to vector<1x16xf32>
        tpu.vector_store %arg6[%swap3A_236, %swap3A_237], %swap3A_240 {strides = array<i32>} : memref<8x4096xf32, #tpu.memory_space<vmem>>, vector<1x16xf32>,
        %mul3A_241 = arith.constant 8 : i32
        %mul3A_242 = arith.muli %scan3A_133, %mul3A_241 : i32
        %add3A_243 = arith.constant 6 : i32
        %add3A_244 = arith.addi %mul3A_242, %add3A_243 : i32
        %mul3A_245 = arith.constant 16 : i32
        %mul3A_246 = arith.muli %add3A_244, %mul3A_245 : i32
        %get3A_247 = arith.constant 6 : i32
        %get3A_248 = arith.index_cast %get3A_247 : i32 to index
        %get3A_249 = arith.index_cast %mul3A_246 : i32 to index
        %get3A_250 = tpu.vector_load %arg6[%get3A_248, %get3A_249] {strides = array<i32>} : memref<8x4096xf32, #tpu.memory_space<vmem>>, vector<1x16xf32>,
        %get3A_251 = vector.shape_cast %get3A_250 : vector<1x16xf32> to vector<16xf32>
        %add3A_252 = arith.addf %get3A_251, %reshape3A_110 : vector<16xf32>
        %swap3A_253 = arith.constant 6 : i32
        %swap3A_254 = arith.index_cast %swap3A_253 : i32 to index
        %swap3A_255 = arith.index_cast %mul3A_246 : i32 to index
        %swap3A_256 = tpu.vector_load %arg6[%swap3A_254, %swap3A_255] {strides = array<i32>} : memref<8x4096xf32, #tpu.memory_space<vmem>>, vector<1x16xf32>,
        %swap3A_257 = vector.shape_cast %swap3A_256 : vector<1x16xf32> to vector<16xf32>
        %swap3A_258 = vector.shape_cast %add3A_252 : vector<16xf32> to vector<1x16xf32>
        tpu.vector_store %arg6[%swap3A_254, %swap3A_255], %swap3A_258 {strides = array<i32>} : memref<8x4096xf32, #tpu.memory_space<vmem>>, vector<1x16xf32>,
        %mul3A_259 = arith.constant 8 : i32
        %mul3A_260 = arith.muli %scan3A_133, %mul3A_259 : i32
        %add3A_261 = arith.constant 7 : i32
        %add3A_262 = arith.addi %mul3A_260, %add3A_261 : i32
        %mul3A_263 = arith.constant 16 : i32
        %mul3A_264 = arith.muli %add3A_262, %mul3A_263 : i32
        %get3A_265 = arith.constant 6 : i32
        %get3A_266 = arith.index_cast %get3A_265 : i32 to index
        %get3A_267 = arith.index_cast %mul3A_264 : i32 to index
        %get3A_268 = tpu.vector_load %arg6[%get3A_266, %get3A_267] {strides = array<i32>} : memref<8x4096xf32, #tpu.memory_space<vmem>>, vector<1x16xf32>,
        %get3A_269 = vector.shape_cast %get3A_268 : vector<1x16xf32> to vector<16xf32>
        %add3A_270 = arith.addf %get3A_269, %reshape3A_110 : vector<16xf32>
        %swap3A_271 = arith.constant 6 : i32
        %swap3A_272 = arith.index_cast %swap3A_271 : i32 to index
        %swap3A_273 = arith.index_cast %mul3A_264 : i32 to index
        %swap3A_274 = tpu.vector_load %arg6[%swap3A_272, %swap3A_273] {strides = array<i32>} : memref<8x4096xf32, #tpu.memory_space<vmem>>, vector<1x16xf32>,
        %swap3A_275 = vector.shape_cast %swap3A_274 : vector<1x16xf32> to vector<16xf32>
        %swap3A_276 = vector.shape_cast %add3A_270 : vector<16xf32> to vector<1x16xf32>
        tpu.vector_store %arg6[%swap3A_272, %swap3A_273], %swap3A_276 {strides = array<i32>} : memref<8x4096xf32, #tpu.memory_space<vmem>>, vector<1x16xf32>,
      }
      %scan3A_116 = arith.constant 32 : i32
      %mul3A_117 = arith.constant 8 : i32
      %mul3A_118 = arith.muli %scan3A_10, %mul3A_117 : i32
      %add3A_119 = arith.constant 7 : i32
      %add3A_120 = arith.addi %mul3A_118, %add3A_119 : i32
      %get3A_121 = arith.index_cast %add3A_120 : i32 to index
      %get3A_122 = arith.constant 0 : index
      %get3A_123 = tpu.vector_load %arg5[%get3A_121, %get3A_122] {strides = array<i32>} : memref<136x16xf32, #tpu.memory_space<vmem>>, vector<1x16xf32>,
      %get3A_124 = vector.shape_cast %get3A_123 : vector<1x16xf32> to vector<1x16xf32>
      %reshape3A_125 = vector.shape_cast %get3A_124 : vector<1x16xf32> to vector<16xf32>
      %scan3A_126 = arith.constant 0 : i32
      %scan3A_127 = arith.constant 0 : i32
      %scan3A_128 = arith.constant 32 : i32
      %scan3A_129 = arith.addi %scan3A_127, %scan3A_128 : i32
      %scan3A_130 = arith.constant 1 : i32
      scf.for %scan3A_133 = %scan3A_127 to %scan3A_129 step %scan3A_130  : i32 {
        %mul3A_134 = arith.constant 8 : i32
        %mul3A_135 = arith.muli %scan3A_133, %mul3A_134 : i32
        %add3A_136 = arith.constant 0 : i32
        %add3A_137 = arith.addi %mul3A_135, %add3A_136 : i32
        %mul3A_138 = arith.constant 16 : i32
        %mul3A_139 = arith.muli %add3A_137, %mul3A_138 : i32
        %get3A_140 = arith.constant 7 : i32
        %get3A_141 = arith.index_cast %get3A_140 : i32 to index
        %get3A_142 = arith.index_cast %mul3A_139 : i32 to index
        %get3A_143 = tpu.vector_load %arg6[%get3A_141, %get3A_142] {strides = array<i32>} : memref<8x4096xf32, #tpu.memory_space<vmem>>, vector<1x16xf32>,
        %get3A_144 = vector.shape_cast %get3A_143 : vector<1x16xf32> to vector<16xf32>
        %add3A_145 = arith.addf %get3A_144, %reshape3A_125 : vector<16xf32>
        %swap3A = arith.constant 7 : i32
        %swap3A_146 = arith.index_cast %swap3A : i32 to index
        %swap3A_147 = arith.index_cast %mul3A_139 : i32 to index
        %swap3A_148 = tpu.vector_load %arg6[%swap3A_146, %swap3A_147] {strides = array<i32>} : memref<8x4096xf32, #tpu.memory_space<vmem>>, vector<1x16xf32>,
        %swap3A_149 = vector.shape_cast %swap3A_148 : vector<1x16xf32> to vector<16xf32>
        %swap3A_150 = vector.shape_cast %add3A_145 : vector<16xf32> to vector<1x16xf32>
        tpu.vector_store %arg6[%swap3A_146, %swap3A_147], %swap3A_150 {strides = array<i32>} : memref<8x4096xf32, #tpu.memory_space<vmem>>, vector<1x16xf32>,
        %mul3A_151 = arith.constant 8 : i32
        %mul3A_152 = arith.muli %scan3A_133, %mul3A_151 : i32
        %add3A_153 = arith.constant 1 : i32
        %add3A_154 = arith.addi %mul3A_152, %add3A_153 : i32
        %mul3A_155 = arith.constant 16 : i32
        %mul3A_156 = arith.muli %add3A_154, %mul3A_155 : i32
        %get3A_157 = arith.constant 7 : i32
        %get3A_158 = arith.index_cast %get3A_157 : i32 to index
        %get3A_159 = arith.index_cast %mul3A_156 : i32 to index
        %get3A_160 = tpu.vector_load %arg6[%get3A_158, %get3A_159] {strides = array<i32>} : memref<8x4096xf32, #tpu.memory_space<vmem>>, vector<1x16xf32>,
        %get3A_161 = vector.shape_cast %get3A_160 : vector<1x16xf32> to vector<16xf32>
        %add3A_162 = arith.addf %get3A_161, %reshape3A_125 : vector<16xf32>
        %swap3A_163 = arith.constant 7 : i32
        %swap3A_164 = arith.index_cast %swap3A_163 : i32 to index
        %swap3A_165 = arith.index_cast %mul3A_156 : i32 to index
        %swap3A_166 = tpu.vector_load %arg6[%swap3A_164, %swap3A_165] {strides = array<i32>} : memref<8x4096xf32, #tpu.memory_space<vmem>>, vector<1x16xf32>,
        %swap3A_167 = vector.shape_cast %swap3A_166 : vector<1x16xf32> to vector<16xf32>
        %swap3A_168 = vector.shape_cast %add3A_162 : vector<16xf32> to vector<1x16xf32>
        tpu.vector_store %arg6[%swap3A_164, %swap3A_165], %swap3A_168 {strides = array<i32>} : memref<8x4096xf32, #tpu.memory_space<vmem>>, vector<1x16xf32>,
        %mul3A_169 = arith.constant 8 : i32
        %mul3A_170 = arith.muli %scan3A_133, %mul3A_169 : i32
        %add3A_171 = arith.constant 2 : i32
        %add3A_172 = arith.addi %mul3A_170, %add3A_171 : i32
        %mul3A_173 = arith.constant 16 : i32
        %mul3A_174 = arith.muli %add3A_172, %mul3A_173 : i32
        %get3A_175 = arith.constant 7 : i32
        %get3A_176 = arith.index_cast %get3A_175 : i32 to index
        %get3A_177 = arith.index_cast %mul3A_174 : i32 to index
        %get3A_178 = tpu.vector_load %arg6[%get3A_176, %get3A_177] {strides = array<i32>} : memref<8x4096xf32, #tpu.memory_space<vmem>>, vector<1x16xf32>,
        %get3A_179 = vector.shape_cast %get3A_178 : vector<1x16xf32> to vector<16xf32>
        %add3A_180 = arith.addf %get3A_179, %reshape3A_125 : vector<16xf32>
        %swap3A_181 = arith.constant 7 : i32
        %swap3A_182 = arith.index_cast %swap3A_181 : i32 to index
        %swap3A_183 = arith.index_cast %mul3A_174 : i32 to index
        %swap3A_184 = tpu.vector_load %arg6[%swap3A_182, %swap3A_183] {strides = array<i32>} : memref<8x4096xf32, #tpu.memory_space<vmem>>, vector<1x16xf32>,
        %swap3A_185 = vector.shape_cast %swap3A_184 : vector<1x16xf32> to vector<16xf32>
        %swap3A_186 = vector.shape_cast %add3A_180 : vector<16xf32> to vector<1x16xf32>
        tpu.vector_store %arg6[%swap3A_182, %swap3A_183], %swap3A_186 {strides = array<i32>} : memref<8x4096xf32, #tpu.memory_space<vmem>>, vector<1x16xf32>,
        %mul3A_187 = arith.constant 8 : i32
        %mul3A_188 = arith.muli %scan3A_133, %mul3A_187 : i32
        %add3A_189 = arith.constant 3 : i32
        %add3A_190 = arith.addi %mul3A_188, %add3A_189 : i32
        %mul3A_191 = arith.constant 16 : i32
        %mul3A_192 = arith.muli %add3A_190, %mul3A_191 : i32
        %get3A_193 = arith.constant 7 : i32
        %get3A_194 = arith.index_cast %get3A_193 : i32 to index
        %get3A_195 = arith.index_cast %mul3A_192 : i32 to index
        %get3A_196 = tpu.vector_load %arg6[%get3A_194, %get3A_195] {strides = array<i32>} : memref<8x4096xf32, #tpu.memory_space<vmem>>, vector<1x16xf32>,
        %get3A_197 = vector.shape_cast %get3A_196 : vector<1x16xf32> to vector<16xf32>
        %add3A_198 = arith.addf %get3A_197, %reshape3A_125 : vector<16xf32>
        %swap3A_199 = arith.constant 7 : i32
        %swap3A_200 = arith.index_cast %swap3A_199 : i32 to index
        %swap3A_201 = arith.index_cast %mul3A_192 : i32 to index
        %swap3A_202 = tpu.vector_load %arg6[%swap3A_200, %swap3A_201] {strides = array<i32>} : memref<8x4096xf32, #tpu.memory_space<vmem>>, vector<1x16xf32>,
        %swap3A_203 = vector.shape_cast %swap3A_202 : vector<1x16xf32> to vector<16xf32>
        %swap3A_204 = vector.shape_cast %add3A_198 : vector<16xf32> to vector<1x16xf32>
        tpu.vector_store %arg6[%swap3A_200, %swap3A_201], %swap3A_204 {strides = array<i32>} : memref<8x4096xf32, #tpu.memory_space<vmem>>, vector<1x16xf32>,
        %mul3A_205 = arith.constant 8 : i32
        %mul3A_206 = arith.muli %scan3A_133, %mul3A_205 : i32
        %add3A_207 = arith.constant 4 : i32
        %add3A_208 = arith.addi %mul3A_206, %add3A_207 : i32
        %mul3A_209 = arith.constant 16 : i32
        %mul3A_210 = arith.muli %add3A_208, %mul3A_209 : i32
        %get3A_211 = arith.constant 7 : i32
        %get3A_212 = arith.index_cast %get3A_211 : i32 to index
        %get3A_213 = arith.index_cast %mul3A_210 : i32 to index
        %get3A_214 = tpu.vector_load %arg6[%get3A_212, %get3A_213] {strides = array<i32>} : memref<8x4096xf32, #tpu.memory_space<vmem>>, vector<1x16xf32>,
        %get3A_215 = vector.shape_cast %get3A_214 : vector<1x16xf32> to vector<16xf32>
        %add3A_216 = arith.addf %get3A_215, %reshape3A_125 : vector<16xf32>
        %swap3A_217 = arith.constant 7 : i32
        %swap3A_218 = arith.index_cast %swap3A_217 : i32 to index
        %swap3A_219 = arith.index_cast %mul3A_210 : i32 to index
        %swap3A_220 = tpu.vector_load %arg6[%swap3A_218, %swap3A_219] {strides = array<i32>} : memref<8x4096xf32, #tpu.memory_space<vmem>>, vector<1x16xf32>,
        %swap3A_221 = vector.shape_cast %swap3A_220 : vector<1x16xf32> to vector<16xf32>
        %swap3A_222 = vector.shape_cast %add3A_216 : vector<16xf32> to vector<1x16xf32>
        tpu.vector_store %arg6[%swap3A_218, %swap3A_219], %swap3A_222 {strides = array<i32>} : memref<8x4096xf32, #tpu.memory_space<vmem>>, vector<1x16xf32>,
        %mul3A_223 = arith.constant 8 : i32
        %mul3A_224 = arith.muli %scan3A_133, %mul3A_223 : i32
        %add3A_225 = arith.constant 5 : i32
        %add3A_226 = arith.addi %mul3A_224, %add3A_225 : i32
        %mul3A_227 = arith.constant 16 : i32
        %mul3A_228 = arith.muli %add3A_226, %mul3A_227 : i32
        %get3A_229 = arith.constant 7 : i32
        %get3A_230 = arith.index_cast %get3A_229 : i32 to index
        %get3A_231 = arith.index_cast %mul3A_228 : i32 to index
        %get3A_232 = tpu.vector_load %arg6[%get3A_230, %get3A_231] {strides = array<i32>} : memref<8x4096xf32, #tpu.memory_space<vmem>>, vector<1x16xf32>,
        %get3A_233 = vector.shape_cast %get3A_232 : vector<1x16xf32> to vector<16xf32>
        %add3A_234 = arith.addf %get3A_233, %reshape3A_125 : vector<16xf32>
        %swap3A_235 = arith.constant 7 : i32
        %swap3A_236 = arith.index_cast %swap3A_235 : i32 to index
        %swap3A_237 = arith.index_cast %mul3A_228 : i32 to index
        %swap3A_238 = tpu.vector_load %arg6[%swap3A_236, %swap3A_237] {strides = array<i32>} : memref<8x4096xf32, #tpu.memory_space<vmem>>, vector<1x16xf32>,
        %swap3A_239 = vector.shape_cast %swap3A_238 : vector<1x16xf32> to vector<16xf32>
        %swap3A_240 = vector.shape_cast %add3A_234 : vector<16xf32> to vector<1x16xf32>
        tpu.vector_store %arg6[%swap3A_236, %swap3A_237], %swap3A_240 {strides = array<i32>} : memref<8x4096xf32, #tpu.memory_space<vmem>>, vector<1x16xf32>,
        %mul3A_241 = arith.constant 8 : i32
        %mul3A_242 = arith.muli %scan3A_133, %mul3A_241 : i32
        %add3A_243 = arith.constant 6 : i32
        %add3A_244 = arith.addi %mul3A_242, %add3A_243 : i32
        %mul3A_245 = arith.constant 16 : i32
        %mul3A_246 = arith.muli %add3A_244, %mul3A_245 : i32
        %get3A_247 = arith.constant 7 : i32
        %get3A_248 = arith.index_cast %get3A_247 : i32 to index
        %get3A_249 = arith.index_cast %mul3A_246 : i32 to index
        %get3A_250 = tpu.vector_load %arg6[%get3A_248, %get3A_249] {strides = array<i32>} : memref<8x4096xf32, #tpu.memory_space<vmem>>, vector<1x16xf32>,
        %get3A_251 = vector.shape_cast %get3A_250 : vector<1x16xf32> to vector<16xf32>
        %add3A_252 = arith.addf %get3A_251, %reshape3A_125 : vector<16xf32>
        %swap3A_253 = arith.constant 7 : i32
        %swap3A_254 = arith.index_cast %swap3A_253 : i32 to index
        %swap3A_255 = arith.index_cast %mul3A_246 : i32 to index
        %swap3A_256 = tpu.vector_load %arg6[%swap3A_254, %swap3A_255] {strides = array<i32>} : memref<8x4096xf32, #tpu.memory_space<vmem>>, vector<1x16xf32>,
        %swap3A_257 = vector.shape_cast %swap3A_256 : vector<1x16xf32> to vector<16xf32>
        %swap3A_258 = vector.shape_cast %add3A_252 : vector<16xf32> to vector<1x16xf32>
        tpu.vector_store %arg6[%swap3A_254, %swap3A_255], %swap3A_258 {strides = array<i32>} : memref<8x4096xf32, #tpu.memory_space<vmem>>, vector<1x16xf32>,
        %mul3A_259 = arith.constant 8 : i32
        %mul3A_260 = arith.muli %scan3A_133, %mul3A_259 : i32
        %add3A_261 = arith.constant 7 : i32
        %add3A_262 = arith.addi %mul3A_260, %add3A_261 : i32
        %mul3A_263 = arith.constant 16 : i32
        %mul3A_264 = arith.muli %add3A_262, %mul3A_263 : i32
        %get3A_265 = arith.constant 7 : i32
        %get3A_266 = arith.index_cast %get3A_265 : i32 to index
        %get3A_267 = arith.index_cast %mul3A_264 : i32 to index
        %get3A_268 = tpu.vector_load %arg6[%get3A_266, %get3A_267] {strides = array<i32>} : memref<8x4096xf32, #tpu.memory_space<vmem>>, vector<1x16xf32>,
        %get3A_269 = vector.shape_cast %get3A_268 : vector<1x16xf32> to vector<16xf32>
        %add3A_270 = arith.addf %get3A_269, %reshape3A_125 : vector<16xf32>
        %swap3A_271 = arith.constant 7 : i32
        %swap3A_272 = arith.index_cast %swap3A_271 : i32 to index
        %swap3A_273 = arith.index_cast %mul3A_264 : i32 to index
        %swap3A_274 = tpu.vector_load %arg6[%swap3A_272, %swap3A_273] {strides = array<i32>} : memref<8x4096xf32, #tpu.memory_space<vmem>>, vector<1x16xf32>,
        %swap3A_275 = vector.shape_cast %swap3A_274 : vector<1x16xf32> to vector<16xf32>
        %swap3A_276 = vector.shape_cast %add3A_270 : vector<16xf32> to vector<1x16xf32>
        tpu.vector_store %arg6[%swap3A_272, %swap3A_273], %swap3A_276 {strides = array<i32>} : memref<8x4096xf32, #tpu.memory_space<vmem>>, vector<1x16xf32>,
      }
      %scan3A_131 = arith.constant 32 : i32
      %sub3A = arith.constant 8448 : i32
      %sub3A_132 = arith.subi %add3A_13, %sub3A : i32
      "tpu.region"() ({
        %run_scoped3A = tpu.sem_alloc : memref<!tpu.dma_semaphore, #tpu.memory_space<semaphore_mem>>
        %dma_start3A = arith.constant 0 : i32
        %dma_start3A_133 = tpu.memref_slice %arg4[%sub3A_132, %dma_start3A] : memref<4352x4096xf32, #tpu.memory_space<hbm>> -> memref<8x4096xf32, #tpu.memory_space<hbm>>
        %dma_start3A_134 = arith.constant 0 : i32
        %dma_start3A_135 = tpu.memref_slice %arg4[%sub3A_132, %dma_start3A_134] : memref<4352x4096xf32, #tpu.memory_space<hbm>> -> memref<8x4096xf32, #tpu.memory_space<hbm>>
        tpu.enqueue_dma source(%arg6 : memref<8x4096xf32, #tpu.memory_space<vmem>>) target(%dma_start3A_135 : memref<8x4096xf32, #tpu.memory_space<hbm>>) target_semaphore(%run_scoped3A : memref<!tpu.dma_semaphore, #tpu.memory_space<semaphore_mem>>)
        %dma_wait3A = arith.constant 0 : i32
        %dma_wait3A_136 = tpu.memref_slice %arg4[%sub3A_132, %dma_wait3A] : memref<4352x4096xf32, #tpu.memory_space<hbm>> -> memref<8x4096xf32, #tpu.memory_space<hbm>>
        %dma_wait3A_137 = arith.constant 0 : i32
        %dma_wait3A_138 = tpu.memref_slice %arg4[%sub3A_132, %dma_wait3A_137] : memref<4352x4096xf32, #tpu.memory_space<hbm>> -> memref<8x4096xf32, #tpu.memory_space<hbm>>
        tpu.wait_dma2 semaphore(%run_scoped3A : memref<!tpu.dma_semaphore, #tpu.memory_space<semaphore_mem>>) src(%arg6 : memref<8x4096xf32, #tpu.memory_space<vmem>>) dst(%dma_wait3A_138 : memref<8x4096xf32, #tpu.memory_space<hbm>>)
        tpu.yield
      }) : () -> ()
    }
    %scan3A_9 = arith.constant 17 : i32
    return
  }
}

module attributes {stable_mosaic.version = 14 : i64} {
  func.func @_tc_body(%arg0: i32, %arg1: memref<64x4096xf32, #tpu.memory_space<vmem>>, %arg2: memref<64x16xf32, #tpu.memory_space<vmem>>, %arg3: memref<64x4096xf32, #tpu.memory_space<vmem>>) attributes {dimension_semantics = [#tpu.dimension_semantics<arbitrary>], iteration_bounds = array<i64: 132>, scalar_prefetch = 0 : i64, scratch_operands = 0 : i64, tpu.core_type = #tpu.core_type<tc>, window_params = [{transform_indices = @transform_0, window_bounds = array<i64: 64, 4096>}, {transform_indices = @transform_1, window_bounds = array<i64: 64, 16>}, {transform_indices = @transform_2, window_bounds = array<i64: 64, 4096>}]} {
    %get3A = arith.constant 0 : index
    %get3A_0 = arith.constant 0 : index
    %get3A_1 = vector.load %arg1[%get3A, %get3A_0] : memref<64x4096xf32, #tpu.memory_space<vmem>>, vector<64x4096xf32>
    %get3A_2 = arith.constant 0 : index
    %get3A_3 = arith.constant 0 : index
    %get3A_4 = vector.load %arg2[%get3A_2, %get3A_3] : memref<64x16xf32, #tpu.memory_space<vmem>>, vector<64x1xf32>
    %add3A = vector.broadcast %get3A_4 : vector<64x1xf32> to vector<64x4096xf32>
    %add3A_5 = arith.addf %get3A_1, %add3A : vector<64x4096xf32>
    %swap3A = arith.constant 0 : index
    %swap3A_6 = arith.constant 0 : index
    %swap3A_7 = vector.load %arg3[%swap3A, %swap3A_6] : memref<64x4096xf32, #tpu.memory_space<vmem>>, vector<64x4096xf32>
    tpu.vector_store %arg3[%swap3A, %swap3A_6], %add3A_5 {strides = array<i32>} : memref<64x4096xf32, #tpu.memory_space<vmem>>, vector<64x4096xf32>,
    return
  }
  func.func @transform_0(%arg0: i32) -> (i32, i32) {
    %c0_i32 = arith.constant 0 : i32
    %c0_i32_0 = arith.constant 0 : i32
    return %arg0, %c0_i32 : i32, i32
  }
  func.func @transform_1(%arg0: i32) -> (i32, i32) {
    %c0_i32 = arith.constant 0 : i32
    %c0_i32_0 = arith.constant 0 : i32
    return %arg0, %c0_i32 : i32, i32
  }
  func.func @transform_2(%arg0: i32) -> (i32, i32) {
    %c0_i32 = arith.constant 0 : i32
    %c0_i32_0 = arith.constant 0 : i32
    return %arg0, %c0_i32 : i32, i32
  }
}

</mosaic_0001>

<sc_bundles>
// kernel: kernel.4.cloned.1.call-start
scs
__scs_entry_jumppad:
0x0: {  	(pc) =	sbr.rel $0x88, $3  }
0x1: {  	(tag) =	ssettag $0x0;
	lr =	simm.s32 $0x1  }
0x2: {  	[smem:$0x3F9F] =	sst lr;
	_ =	strace $0xD0000000  }
0x3: {  	_ = 	snop  }
0x4: {  	_ = 	snop  }
0x5: {  	_ = 	snop  }
0x6: {  	_ = 	snop  }
0x7: {  	_ = 	snop  }
__scs_overlays_trampoline_lowered:
0x8: {  	[smem:$0x3FAE] =	sst s0  }
0x9: {  	[smem:$0x3FAF] =	sst s1  }
0xa: {  	[smem:$0x3FB0] =	sst s2  }
0xb: {  	[smem:$0x3FB1] =	sst s3  }
0xc: {  	[smem:$0x3FB2] =	sst s4  }
0xd: {  	[smem:$0x3FB3] =	sst s5  }
0xe: {  	[smem:$0x3FB4] =	sst s6  }
0xf: {  	[smem:$0x3FB5] =	sst s7  }
0x10: {  	[smem:$0x3FB6] =	sst s8  }
0x11: {  	[smem:$0x3FB7] =	sst s9;
	s0 =	simm.s32 @!p0 $0x0  }
0x12: {  	s1 =	sld [smem:$0x3F9D];
	s0 =	simm.s32 @p0 $0x1  }
0x13: {  	[smem:$0x3FB8] =	sst s0;
	s0 =	simm.s32 @!p1 $0x0  }
0x14: {  	s2 =	sld [smem:$0x3F9C];
	s0 =	simm.s32 @p1 $0x1  }
0x15: {  	[smem:$0x3FB9] =	sst s0;
	s0 =	simm.s32 @!p2 $0x0  }
0x16: {  	s3 =	sld [smem:$0x3FDB];
	s0 =	simm.s32 @p2 $0x1  }
0x17: {  	s4 =	simm.s32 $0x1BF5;
	[smem:$0x3FBB] =	sst s0  }
0x18: {  	s0 =	sld [smem:$0x3F9E];
	_ =	swait.ge [sflag:s4], $0x0  }
0x19: {  	s7 =	sld [smem:$0x3F9F]  }
0x1a: {  	s8 =	sadd.s32 $0xFFFFE003, lr  }
0x1b: {  	s9 =	sadd.s32 $0xFFFFFEF7, lr;
	s5 =	simm.s32 $0xFFFFFFFF;
	p2 =	slt.u32 s8, $0xFFFFF086  }
0x1c: {  	p1 =	slt.u32 s9, $0xF7A;
	s5 =	simm.s32 @!p2 $0x0  }
0x1d: {  	s5 =	simm.s32 @p1 $0x1;
	p0 =	seq.s32 s7, s2  }
0x1e: {  	s7 =	smul.u32 @!p0 $0xF7A, s2;
	p2 =	seq.s32 @!p0 s5, $0x0  }
0x1f: {  	s9 =	smul.u32 $0xF7A, s1;
	s8 =	simm.s32 @!p0 $0x1BF5;
	p2 =	por !p2, p0  }
0x20: {  	[sflag:s8] =	ssyncset.s32 @!p0 $0xFFFFF086;
	s6 =	sadd.s32 @!p0 s3, s7;
	s7 =	simm.s32 @!p0 $0x108  }
0x21: {  	s3 =	sadd.s32 s3, s9;
	s6 =	sadd.s32 @!p0 $0x88, s6;
	s7 =	simm.s32 @p2 $0x1082  }
0x22: {  	[simem:s7], [sflag:s8] =	dma.local @!p0 [hbm:s6], $0xF7A  }
0x23: {  	s9 =	sor.u32 $0xD0000000, s2;
	s6 =	simm.s32 $0x108;
	_ =	swait.ge @!p0 [sflag:s8], $0x0  }
0x24: {  	s3 =	sadd.s32 $0x88, s3;
	s6 =	simm.s32 @!p1 $0x1082;
	[sflag:s4] =	ssyncset.s32 $0xFFFFF086  }
0x25: {  	[simem:s6], [sflag:s4] =	dma.local [hbm:s3], $0xF7A  }
0x26: {  	[smem:$0x3F9F] =	sst s1;
	(tag) =	ssettag s2;
	_ =	strace s9  }
0x27: {  	s1 =	sld [smem:$0x3FAF]  }
0x28: {  	s2 =	sld [smem:$0x3FB0]  }
0x29: {  	s4 =	sld [smem:$0x3FB2]  }
0x2a: {  	p0 =	seq.s32 s5, $0x0;
	s5 =	sld [smem:$0x3FB3]  }
0x2b: {  	s6 =	sld [smem:$0x3FB4]  }
0x2c: {  	s7 =	sld [smem:$0x3FB5]  }
0x2d: {  	s3 =	simm.s32 $0x108;
	s8 =	sld [smem:$0x3FB6]  }
0x2e: {  	s3 =	simm.s32 @!p0 $0x1082;
	s9 =	sld [smem:$0x3FB7]  }
0x2f: {  	lr =	sadd.s32 s0, s3;
	s0 =	sld [smem:$0x3FAE]  }
0x30: {  	s3 =	sld [smem:$0x3FB1]  }
0x31: {  	[smem:$0x3FBA] =	sst s10  }
0x32: {  	s10 =	sld [smem:$0x3FB8];
	_ =	sdelay $0x3  }
0x33: {  	p0 =	seq.s32 s10, $0x1;
	s10 =	sld [smem:$0x3FBA];
	_ =	sdelay $0x3  }
0x34: {  	[smem:$0x3FBA] =	sst s10  }
0x35: {  	s10 =	sld [smem:$0x3FB9];
	_ =	sdelay $0x3  }
0x36: {  	p1 =	seq.s32 s10, $0x1;
	s10 =	sld [smem:$0x3FBA];
	_ =	sdelay $0x3  }
0x37: {  	[smem:$0x3FBA] =	sst s10  }
0x38: {  	s10 =	sld [smem:$0x3FBB]  }
0x39: {  	_ = 	snop;
	(pc) =	sbr.ind lr, $3  }
0x3a: {  	_ = 	snop  }
0x3b: {  	_ = 	snop  }
0x3c: {  	p2 =	seq.s32 s10, $0x1;
	s10 =	sld [smem:$0x3FBA]  }
0x3d: {  	_ =	shalt  }
0x3e: {  	_ =	shalt  }
0x3f: {  	_ =	shalt  }
0x40: {  	_ =	shalt  }
0x41: {  	_ =	shalt  }
0x42: {  	_ =	shalt  }
0x43: {  	_ =	shalt  }
0x44: {  	_ =	shalt  }
0x45: {  	_ =	shalt  }
0x46: {  	_ =	shalt  }
0x47: {  	_ =	shalt  }
0x48: {  	_ =	shalt  }
0x49: {  	_ =	shalt  }
0x4a: {  	_ =	shalt  }
0x4b: {  	_ =	shalt  }
0x4c: {  	_ =	shalt  }
0x4d: {  	_ =	shalt  }
0x4e: {  	_ =	shalt  }
0x4f: {  	_ =	shalt  }
0x50: {  	_ =	shalt  }
0x51: {  	_ =	shalt  }
0x52: {  	_ =	shalt  }
0x53: {  	_ =	shalt  }
0x54: {  	_ =	shalt  }
0x55: {  	_ =	shalt  }
0x56: {  	_ =	shalt  }
0x57: {  	_ =	shalt  }
0x58: {  	_ =	shalt  }
0x59: {  	_ =	shalt  }
0x5a: {  	_ =	shalt  }
0x5b: {  	_ =	shalt  }
0x5c: {  	_ =	shalt  }
0x5d: {  	_ =	shalt  }
0x5e: {  	_ =	shalt  }
0x5f: {  	_ =	shalt  }
0x60: {  	_ =	shalt  }
0x61: {  	_ =	shalt  }
0x62: {  	_ =	shalt  }
0x63: {  	_ =	shalt  }
0x64: {  	_ =	shalt  }
0x65: {  	_ =	shalt  }
0x66: {  	_ =	shalt  }
0x67: {  	_ =	shalt  }
0x68: {  	_ =	shalt  }
0x69: {  	_ =	shalt  }
0x6a: {  	_ =	shalt  }
0x6b: {  	_ =	shalt  }
0x6c: {  	_ =	shalt  }
0x6d: {  	_ =	shalt  }
0x6e: {  	_ =	shalt  }
0x6f: {  	_ =	shalt  }
0x70: {  	_ =	shalt  }
0x71: {  	_ =	shalt  }
0x72: {  	_ =	shalt  }
0x73: {  	_ =	shalt  }
0x74: {  	_ =	shalt  }
0x75: {  	_ =	shalt  }
0x76: {  	_ =	shalt  }
0x77: {  	_ =	shalt  }
0x78: {  	_ =	shalt  }
0x79: {  	_ =	shalt  }
0x7a: {  	_ =	shalt  }
0x7b: {  	_ =	shalt  }
0x7c: {  	_ =	shalt  }
0x7d: {  	_ =	shalt  }
0x7e: {  	_ =	shalt  }
0x7f: {  	_ =	shalt  }
0x80: {  	_ =	shalt  }
0x81: {  	_ =	shalt  }
0x82: {  	_ =	shalt  }
0x83: {  	_ =	shalt  }
0x84: {  	_ =	shalt  }
0x85: {  	_ =	shalt  }
0x86: {  	_ =	shalt  }
0x87: {  	_ =	shalt  }
.Lfunc_end0:
.L_simem_size_0:
called_computation_lowered:
.L_overlay_start_0:
0x88: {  	s2 =	sld [smem:$0x3FD9]  }
0x89: {  	s3 =	sld [smem:$0x3FFE];
	_ =	sdelay $0x1  }
0x8a: {  	s1 =	srdreg.scid  }
0x8b: {  	s0 =	sand.u32 $0x1, s1  }
0x8c: {  	s17 =	sshll.u32 s0, $0xA;
	s2 =	sadd.s32 s3, s2  }
0x8d: {  	s2 =	sadd.s32 s2, s17  }
0x8e: {  	[smem:$0x3FC6] =	sst s2  }
0x8f: {  	_ = 	snop  }
0x90: {  	s2 =	sld [smem:$0x3FC9];
	(tm) =	ssettm $0x1  }
0x91: {  	s18 =	sld [smem:$0x3FFB];
	_ =	sdelay $0x3  }
0x92: {  	_ =	strace s18  }
0x93: {  	s3 =	sld [smem:$0x3FFC];
	_ =	sdelay $0x3  }
0x94: {  	_ =	strace s3  }
0x95: {  	s3 =	sld [smem:$0x3FFD];
	_ =	sdelay $0x3  }
0x96: {  	_ =	strace s3  }
0x97: {  	_ =	strace $0x8FFFFFFF  }
0x98: {  	s19 =	sld [smem:$0x3FDB];
	_ =	sdelay $0x1  }
0x99: {  	s4 =	simm.s32 $_scs_section_size  }
0x9a: {  	s5 =	simm.s32 $_size__tile_overlayer_lowered;
	s6 =	simm.s32 $_tile_overlayer_lowered  }
0x9b: {  	s22 =	simm.s32 $0x1BFF;
	s21 =	sshll.u32 s6, $0x1;
	s3 =	sadd.s32 s4, s19  }
0x9c: {  	s7 =	simm.s32 $0x0;
	s20 =	sshll.u32 s5, $0x1;
	s5 =	sadd.s32 s21, s3  }
0x9d: {  	[timem:s7], [sflag:s22] =	dma.local [hbm:s5], s20  }
0x9e: {  	_ =	swait.ge [sflag:s22], s20  }
0x9f: {  	s4 =	ssub.s32 $0x0, s20;
	[sflag:s22] =	ssyncset.done $0x0  }
0xa0: {  	[sflag:s22] =	ssyncadd.s32 s4;
	_ =	sdelay $0x1  }
0xa1: {  	s23 =	simm.s32 $0x1B8B  }
0xa2: {  	_ =	swait.ge [sflag:s23], $0x1  }
0xa3: {  	[sflag:s23] =	ssyncset.done $0x0  }
0xa4: {  	s25 =	simm.s32 $0x1B8E;
	s24 =	sld [smem:$0x3FFE];
	[sflag:s23] =	ssyncadd.s32 $0xFFFFFFFF  }
0xa5: {  	s26 =	simm.s32 $execute0_lowered;
	[smem:$0x3FD2] =	sst s25  }
0xa6: {  	s5 =	sshll.u32 s26, $0x1;
	_ =	strace $0x80000046;
	[dreg:$0x1] =	wrdreg $0xFFFFFFFF  }
0xa7: {  	s28 =	simm.s32 $_size_execute0_lowered;
	s3 =	sadd.s32 s3, s5;
	[dreg:$0x0] =	wrdreg $0x0  }
0xa8: {  	s5 =	sshll.u32 s28, $0x1;
	[dreg:$0x2] =	wrdreg s3  }
0xa9: {  	[dreg:$0x3] =	wrdreg s5  }
0xaa: {  	[dreg:$0x4] =	wrdreg $0xC0  }
0xab: {  	_ =	task [dreg:s7], $0x5FFFF  }
0xac: {  	[dreg:$0x1] =	wrdreg $0xFFFFFFFF  }
0xad: {  	[dreg:$0x0] =	wrdreg $0x60  }
0xae: {  	[dreg:$0x2] =	wrdreg s2  }
0xaf: {  	[dreg:$0x3] =	wrdreg s24  }
0xb0: {  	[dreg:$0x4] =	wrdreg $0x9  }
0xb1: {  	_ =	task.clear_ibuf [dreg:s7], $0x5FFFF;
	_ =	strace $0x90000046  }
0xb2: {  	s29 =	simm.s32 $0x9;
	_ =	strace $0x80000048  }
0xb3: {  	_ =	swait.ge [sflag:s29], $0x1  }
0xb4: {  	[sflag:s29] =	ssyncadd.s32 $0xFFFFFFFF  }
0xb5: {  	_ =	strace $0x90000048  }
0xb6: {  	_ =	sfence  }
0xb7: {  	s30 =	sld [smem:$0x0];
	_ =	sdelay $0x2  }
0xb8: {  	s31 =	sshll.u32 s1, $0xD;
	s1 =	sshrl.u32 s1, $0x2  }
0xb9: {  	s3 =	sand.u32 $0x4000, s31;
	s1 =	sadd.s32 s1, s30  }
0xba: {  	s0 =	sor.u32 s3, s0;
	s1 =	sshll.u32 s1, $0x11  }
0xbb: {  	s0 =	sor.u32 s1, s0  }
0xbc: {  	s0 =	sadd.s32 $0x8F2B, s0  }
0xbd: {  	[sflag:s0] =	ssyncadd.remote.s32 $0x1  }
0xbe: {  	_ =	sfence.sel $0xFFFF  }
0xbf: {  	[dreg:$0x0] =	wrdreg $0xFFFFFFFF;
	(pc) =	sbr.abs _section_cstart, $3  }
0xc0: {  	[dreg:$0x1] =	wrdreg $0xFFFFFFFF  }
0xc1: {  	_ =	task.clear_ibuf [dreg:s7], $0x2FFFF;
	_ =	strace $0x9FFFFFFF  }
0xc2: {  	(tm) =	ssettm $0x7FFFFFFF  }
0xc3: {  	_ =	shalt  }
tec
execute0_lowered:
.L_overlay_start_1:
0x0: {  	(tag) =	ssettag $0x1  }
0x1: {  	s1 =	srdreg.scid;
	s0 =	stileid.u32  }
0x2: {  	s6 =	sand.u32 $0x1, s1;
	s31 =	sshll.u32 s0, $0x1  }
0x3: {  	s2 =	rddreg [dreg:$0x0];
	s1 =	sor.u32 s6, s31  }
0x4: {  	s7 =	rddreg [dreg:$0x1];
	s4 =	simm.s32 $0x0;
	s3 =	smul.u32 $0x88, s1  }
0x5: {  	s10 =	simm.s32 $0x4400;
	s11 =	simm.s32 $0x0;
	[smem:$0x7FF] =	sst s4  }
0x6: {  	s6 =	ssub.s32 $0x2, s6;
	s1 =	rddreg [dreg:$0x2];
	s5 =	sadd.s32 $0x2100, s3  }
0x7: {  	s9 =	sshrl.u32 s6, $0x1;
	_ =	strace $0x80000047;
	s8 =	sshll.u32 s5, $0x4  }
0x8: {  	s9 =	ssub.s32 s6, s9;
	s6 =	sadd.s32 $0x32600, s7;
	s8 =	sadd.s32 s8, s7  }
0x9: {  	s7 =	sadd.s32 $0x600, s8;
	s8 =	smax.u32 s9, $0x1;
	s9 =	simm.s32 $0x1  }
.LBB2_1:
0xa: {  	[tilespmem:s4], [sflag:$0x1] =	stream.linear.gather [hbm4b:s7+s4], $0x4400, $0x38;
	[tilespmem:$0xC400] =	vst v63  }
0xb: {  	_ =	swait.ge [sflag:s9], $0x4400  }
0xc: {  	[sflag:s9] =	ssyncset.done $0x0  }
0xd: {  	s12 =	simm.s32 $0x0;
	[sflag:s9] =	ssyncadd.s32 $0xFFFFBC00  }
.LBB2_2:
0xe: {  	s13 =	sshll.u32 s12, $0x3  }
0xf: {  	s14 =	sadd.s32 s5, s13  }
0x10: {  	s14 =	sshll.u32 s14, $0x9  }
0x11: {  	s15 =	simm.s32 $0x0;
	s14 =	sadd.s32 s2, s14  }
0x12: {  	[tilespmem:s10], [sflag:$0x1] =	stream.linear.gather [hbm4b:s14+s15], $0x8000, $0x38;
	[tilespmem:$0xC400] =	vst v63  }
0x13: {  	_ =	swait.ge [sflag:s9], $0x8000  }
0x14: {  	s31 =	sshll.u32 s12, $0xA;
	[sflag:s9] =	ssyncset.done $0x0  }
0x15: {  	s14 =	sand.u32 $0x3FFFFC00, s31;
	[sflag:s9] =	ssyncadd.s32 $0xFFFF8000  }
0x16: {  	s15 =	simm.s32 $0x0;
	v0 =	vld [tilespmem:s14+$0x0]  }
0x17: {  	v4 =	vld [tilespmem:s15+$0x4400]  }
0x18: {  	v6 =	vld [tilespmem:s15+$0x4410]  }
0x19: {  	v5 =	vld [tilespmem:s15+$0x4420]  }
0x1a: {  	v3 =	vld [tilespmem:s15+$0x4430]  }
0x1b: {  	v1 =	vld [tilespmem:s15+$0x4440]  }
0x1c: {  	v2 =	vld [tilespmem:s15+$0x4450];
	v7 =	vadd.f32 v4, v0  }
0x1d: {  	s16 =	simm.s32 $0x1000;
	v6 =	vadd.f32 v6, v0;
	v4 =	vld [tilespmem:s15+$0x4460]  }
.LBB2_3:
0x1e: {  	s17 =	sshra.s32 s16, $0x2;
	p0 =	sne.s32 s16, $0x1F000;
	[tilespmem:s15+$0x4400] =	vst v7;
	v5 =	vadd.f32 v5, v0;
	v7 =	vld [tilespmem:s15+$0x4470]  }
0x1f: {  	v8 =	vld [tilespmem:s17+$0x4400];
	[tilespmem:s15+$0x4410] =	vst v6;
	v3 =	vadd.f32 v3, v0  }
0x20: {  	v6 =	vld [tilespmem:s17+$0x4410];
	[tilespmem:s15+$0x4420] =	vst v5;
	v1 =	vadd.f32 v1, v0  }
.Ltmp0:
0x21: {  	v5 =	vld [tilespmem:s17+$0x4420];
	[tilespmem:s15+$0x4430] =	vst v3;
	v2 =	vadd.f32 v2, v0;
	(pc) =	sbr.rel @p0 .LBB2_3-.Ltmp0, $4  }
0x22: {  	v3 =	vld [tilespmem:s17+$0x4430];
	[tilespmem:s15+$0x4440] =	vst v1;
	v4 =	vadd.f32 v4, v0  }
0x23: {  	v1 =	vld [tilespmem:s17+$0x4440];
	[tilespmem:s15+$0x4450] =	vst v2;
	v9 =	vadd.f32 v7, v0  }
0x24: {  	v7 =	vadd.f32 v8, v0;
	v2 =	vld [tilespmem:s17+$0x4450];
	[tilespmem:s15+$0x4460] =	vst v4  }
0x25: {  	s16 =	sadd.s32 $0x1000, s16;
	v6 =	vadd.f32 v6, v0;
	v4 =	vld [tilespmem:s17+$0x4460];
	[tilespmem:s15+$0x4470] =	vst v9;
	s15 =	smov.u32 s17  }
0x26: {  	[tilespmem:s15+$0x4400] =	vst v7;
	v5 =	vadd.f32 v5, v0;
	v7 =	vld [tilespmem:s15+$0x4470]  }
0x27: {  	[tilespmem:s15+$0x4410] =	vst v6;
	v3 =	vadd.f32 v3, v0  }
0x28: {  	[tilespmem:s15+$0x4420] =	vst v5;
	v1 =	vadd.f32 v1, v0  }
0x29: {  	[tilespmem:s15+$0x4430] =	vst v3;
	v2 =	vadd.f32 v2, v0  }
0x2a: {  	[tilespmem:s15+$0x4440] =	vst v1;
	v1 =	vadd.f32 v4, v0  }
0x2b: {  	[tilespmem:s15+$0x4450] =	vst v2;
	v0 =	vadd.f32 v7, v0  }
0x2c: {  	[tilespmem:s15+$0x4460] =	vst v1  }
0x2d: {  	[tilespmem:s15+$0x4470] =	vst v0  }
0x2e: {  	s15 =	simm.s32 $0x0;
	v0 =	vld [tilespmem:s14+$0x80]  }
0x2f: {  	v4 =	vld [tilespmem:s15+$0x4480]  }
0x30: {  	v6 =	vld [tilespmem:s15+$0x4490]  }
0x31: {  	v5 =	vld [tilespmem:s15+$0x44A0]  }
0x32: {  	v3 =	vld [tilespmem:s15+$0x44B0]  }
0x33: {  	v1 =	vld [tilespmem:s15+$0x44C0]  }
0x34: {  	v2 =	vld [tilespmem:s15+$0x44D0];
	v7 =	vadd.f32 v4, v0  }
0x35: {  	s16 =	simm.s32 $0x1000;
	v6 =	vadd.f32 v6, v0;
	v4 =	vld [tilespmem:s15+$0x44E0]  }
.LBB2_5:
0x36: {  	s17 =	sshra.s32 s16, $0x2;
	p0 =	sne.s32 s16, $0x1F000;
	[tilespmem:s15+$0x4480] =	vst v7;
	v5 =	vadd.f32 v5, v0;
	v7 =	vld [tilespmem:s15+$0x44F0]  }
0x37: {  	v8 =	vld [tilespmem:s17+$0x4480];
	[tilespmem:s15+$0x4490] =	vst v6;
	v3 =	vadd.f32 v3, v0  }
0x38: {  	v6 =	vld [tilespmem:s17+$0x4490];
	[tilespmem:s15+$0x44A0] =	vst v5;
	v1 =	vadd.f32 v1, v0  }
.Ltmp1:
0x39: {  	v5 =	vld [tilespmem:s17+$0x44A0];
	[tilespmem:s15+$0x44B0] =	vst v3;
	v2 =	vadd.f32 v2, v0;
	(pc) =	sbr.rel @p0 .LBB2_5-.Ltmp1, $4  }
0x3a: {  	v3 =	vld [tilespmem:s17+$0x44B0];
	[tilespmem:s15+$0x44C0] =	vst v1;
	v4 =	vadd.f32 v4, v0  }
0x3b: {  	v1 =	vld [tilespmem:s17+$0x44C0];
	[tilespmem:s15+$0x44D0] =	vst v2;
	v9 =	vadd.f32 v7, v0  }
0x3c: {  	v7 =	vadd.f32 v8, v0;
	v2 =	vld [tilespmem:s17+$0x44D0];
	[tilespmem:s15+$0x44E0] =	vst v4  }
0x3d: {  	s16 =	sadd.s32 $0x1000, s16;
	v6 =	vadd.f32 v6, v0;
	v4 =	vld [tilespmem:s17+$0x44E0];
	[tilespmem:s15+$0x44F0] =	vst v9;
	s15 =	smov.u32 s17  }
0x3e: {  	[tilespmem:s15+$0x4480] =	vst v7;
	v5 =	vadd.f32 v5, v0;
	v7 =	vld [tilespmem:s15+$0x44F0]  }
0x3f: {  	[tilespmem:s15+$0x4490] =	vst v6;
	v3 =	vadd.f32 v3, v0  }
0x40: {  	[tilespmem:s15+$0x44A0] =	vst v5;
	v1 =	vadd.f32 v1, v0  }
0x41: {  	[tilespmem:s15+$0x44B0] =	vst v3;
	v2 =	vadd.f32 v2, v0  }
0x42: {  	[tilespmem:s15+$0x44C0] =	vst v1;
	v1 =	vadd.f32 v4, v0  }
0x43: {  	[tilespmem:s15+$0x44D0] =	vst v2;
	v0 =	vadd.f32 v7, v0  }
0x44: {  	[tilespmem:s15+$0x44E0] =	vst v1  }
0x45: {  	[tilespmem:s15+$0x44F0] =	vst v0  }
0x46: {  	s15 =	simm.s32 $0x0;
	v0 =	vld [tilespmem:s14+$0x100]  }
0x47: {  	v4 =	vld [tilespmem:s15+$0x4500]  }
0x48: {  	v6 =	vld [tilespmem:s15+$0x4510]  }
0x49: {  	v5 =	vld [tilespmem:s15+$0x4520]  }
0x4a: {  	v3 =	vld [tilespmem:s15+$0x4530]  }
0x4b: {  	v1 =	vld [tilespmem:s15+$0x4540]  }
0x4c: {  	v2 =	vld [tilespmem:s15+$0x4550];
	v7 =	vadd.f32 v4, v0  }
0x4d: {  	s16 =	simm.s32 $0x1000;
	v6 =	vadd.f32 v6, v0;
	v4 =	vld [tilespmem:s15+$0x4560]  }
.LBB2_7:
0x4e: {  	s17 =	sshra.s32 s16, $0x2;
	p0 =	sne.s32 s16, $0x1F000;
	[tilespmem:s15+$0x4500] =	vst v7;
	v5 =	vadd.f32 v5, v0;
	v7 =	vld [tilespmem:s15+$0x4570]  }
0x4f: {  	v8 =	vld [tilespmem:s17+$0x4500];
	[tilespmem:s15+$0x4510] =	vst v6;
	v3 =	vadd.f32 v3, v0  }
0x50: {  	v6 =	vld [tilespmem:s17+$0x4510];
	[tilespmem:s15+$0x4520] =	vst v5;
	v1 =	vadd.f32 v1, v0  }
.Ltmp2:
0x51: {  	v5 =	vld [tilespmem:s17+$0x4520];
	[tilespmem:s15+$0x4530] =	vst v3;
	v2 =	vadd.f32 v2, v0;
	(pc) =	sbr.rel @p0 .LBB2_7-.Ltmp2, $4  }
0x52: {  	v3 =	vld [tilespmem:s17+$0x4530];
	[tilespmem:s15+$0x4540] =	vst v1;
	v4 =	vadd.f32 v4, v0  }
0x53: {  	v1 =	vld [tilespmem:s17+$0x4540];
	[tilespmem:s15+$0x4550] =	vst v2;
	v9 =	vadd.f32 v7, v0  }
0x54: {  	v7 =	vadd.f32 v8, v0;
	v2 =	vld [tilespmem:s17+$0x4550];
	[tilespmem:s15+$0x4560] =	vst v4  }
0x55: {  	s16 =	sadd.s32 $0x1000, s16;
	v6 =	vadd.f32 v6, v0;
	v4 =	vld [tilespmem:s17+$0x4560];
	[tilespmem:s15+$0x4570] =	vst v9;
	s15 =	smov.u32 s17  }
0x56: {  	[tilespmem:s15+$0x4500] =	vst v7;
	v5 =	vadd.f32 v5, v0;
	v7 =	vld [tilespmem:s15+$0x4570]  }
0x57: {  	[tilespmem:s15+$0x4510] =	vst v6;
	v3 =	vadd.f32 v3, v0  }
0x58: {  	[tilespmem:s15+$0x4520] =	vst v5;
	v1 =	vadd.f32 v1, v0  }
0x59: {  	[tilespmem:s15+$0x4530] =	vst v3;
	v2 =	vadd.f32 v2, v0  }
0x5a: {  	[tilespmem:s15+$0x4540] =	vst v1;
	v1 =	vadd.f32 v4, v0  }
0x5b: {  	[tilespmem:s15+$0x4550] =	vst v2;
	v0 =	vadd.f32 v7, v0  }
0x5c: {  	[tilespmem:s15+$0x4560] =	vst v1  }
0x5d: {  	[tilespmem:s15+$0x4570] =	vst v0  }
0x5e: {  	s15 =	simm.s32 $0x0;
	v0 =	vld [tilespmem:s14+$0x180]  }
0x5f: {  	v4 =	vld [tilespmem:s15+$0x4580]  }
0x60: {  	v6 =	vld [tilespmem:s15+$0x4590]  }
0x61: {  	v5 =	vld [tilespmem:s15+$0x45A0]  }
0x62: {  	v3 =	vld [tilespmem:s15+$0x45B0]  }
0x63: {  	v1 =	vld [tilespmem:s15+$0x45C0]  }
0x64: {  	v2 =	vld [tilespmem:s15+$0x45D0];
	v7 =	vadd.f32 v4, v0  }
0x65: {  	s16 =	simm.s32 $0x1000;
	v6 =	vadd.f32 v6, v0;
	v4 =	vld [tilespmem:s15+$0x45E0]  }
.LBB2_9:
0x66: {  	s17 =	sshra.s32 s16, $0x2;
	p0 =	sne.s32 s16, $0x1F000;
	[tilespmem:s15+$0x4580] =	vst v7;
	v5 =	vadd.f32 v5, v0;
	v7 =	vld [tilespmem:s15+$0x45F0]  }
0x67: {  	v8 =	vld [tilespmem:s17+$0x4580];
	[tilespmem:s15+$0x4590] =	vst v6;
	v3 =	vadd.f32 v3, v0  }
0x68: {  	v6 =	vld [tilespmem:s17+$0x4590];
	[tilespmem:s15+$0x45A0] =	vst v5;
	v1 =	vadd.f32 v1, v0  }
.Ltmp3:
0x69: {  	v5 =	vld [tilespmem:s17+$0x45A0];
	[tilespmem:s15+$0x45B0] =	vst v3;
	v2 =	vadd.f32 v2, v0;
	(pc) =	sbr.rel @p0 .LBB2_9-.Ltmp3, $4  }
0x6a: {  	v3 =	vld [tilespmem:s17+$0x45B0];
	[tilespmem:s15+$0x45C0] =	vst v1;
	v4 =	vadd.f32 v4, v0  }
0x6b: {  	v1 =	vld [tilespmem:s17+$0x45C0];
	[tilespmem:s15+$0x45D0] =	vst v2;
	v9 =	vadd.f32 v7, v0  }
0x6c: {  	v7 =	vadd.f32 v8, v0;
	v2 =	vld [tilespmem:s17+$0x45D0];
	[tilespmem:s15+$0x45E0] =	vst v4  }
0x6d: {  	s16 =	sadd.s32 $0x1000, s16;
	v6 =	vadd.f32 v6, v0;
	v4 =	vld [tilespmem:s17+$0x45E0];
	[tilespmem:s15+$0x45F0] =	vst v9;
	s15 =	smov.u32 s17  }
0x6e: {  	[tilespmem:s15+$0x4580] =	vst v7;
	v5 =	vadd.f32 v5, v0;
	v7 =	vld [tilespmem:s15+$0x45F0]  }
0x6f: {  	[tilespmem:s15+$0x4590] =	vst v6;
	v3 =	vadd.f32 v3, v0  }
0x70: {  	[tilespmem:s15+$0x45A0] =	vst v5;
	v1 =	vadd.f32 v1, v0  }
0x71: {  	[tilespmem:s15+$0x45B0] =	vst v3;
	v2 =	vadd.f32 v2, v0  }
0x72: {  	[tilespmem:s15+$0x45C0] =	vst v1;
	v1 =	vadd.f32 v4, v0  }
0x73: {  	[tilespmem:s15+$0x45D0] =	vst v2;
	v0 =	vadd.f32 v7, v0  }
0x74: {  	[tilespmem:s15+$0x45E0] =	vst v1  }
0x75: {  	[tilespmem:s15+$0x45F0] =	vst v0  }
0x76: {  	s15 =	simm.s32 $0x0;
	v0 =	vld [tilespmem:s14+$0x200]  }
0x77: {  	v4 =	vld [tilespmem:s15+$0x4600]  }
0x78: {  	v6 =	vld [tilespmem:s15+$0x4610]  }
0x79: {  	v5 =	vld [tilespmem:s15+$0x4620]  }
0x7a: {  	v3 =	vld [tilespmem:s15+$0x4630]  }
0x7b: {  	v1 =	vld [tilespmem:s15+$0x4640]  }
0x7c: {  	v2 =	vld [tilespmem:s15+$0x4650];
	v7 =	vadd.f32 v4, v0  }
0x7d: {  	s16 =	simm.s32 $0x1000;
	v6 =	vadd.f32 v6, v0;
	v4 =	vld [tilespmem:s15+$0x4660]  }
.LBB2_11:
0x7e: {  	s17 =	sshra.s32 s16, $0x2;
	p0 =	sne.s32 s16, $0x1F000;
	[tilespmem:s15+$0x4600] =	vst v7;
	v5 =	vadd.f32 v5, v0;
	v7 =	vld [tilespmem:s15+$0x4670]  }
0x7f: {  	v8 =	vld [tilespmem:s17+$0x4600];
	[tilespmem:s15+$0x4610] =	vst v6;
	v3 =	vadd.f32 v3, v0  }
0x80: {  	v6 =	vld [tilespmem:s17+$0x4610];
	[tilespmem:s15+$0x4620] =	vst v5;
	v1 =	vadd.f32 v1, v0  }
.Ltmp4:
0x81: {  	v5 =	vld [tilespmem:s17+$0x4620];
	[tilespmem:s15+$0x4630] =	vst v3;
	v2 =	vadd.f32 v2, v0;
	(pc) =	sbr.rel @p0 .LBB2_11-.Ltmp4, $4  }
0x82: {  	v3 =	vld [tilespmem:s17+$0x4630];
	[tilespmem:s15+$0x4640] =	vst v1;
	v4 =	vadd.f32 v4, v0  }
0x83: {  	v1 =	vld [tilespmem:s17+$0x4640];
	[tilespmem:s15+$0x4650] =	vst v2;
	v9 =	vadd.f32 v7, v0  }
0x84: {  	v7 =	vadd.f32 v8, v0;
	v2 =	vld [tilespmem:s17+$0x4650];
	[tilespmem:s15+$0x4660] =	vst v4  }
0x85: {  	s16 =	sadd.s32 $0x1000, s16;
	v6 =	vadd.f32 v6, v0;
	v4 =	vld [tilespmem:s17+$0x4660];
	[tilespmem:s15+$0x4670] =	vst v9;
	s15 =	smov.u32 s17  }
0x86: {  	[tilespmem:s15+$0x4600] =	vst v7;
	v5 =	vadd.f32 v5, v0;
	v7 =	vld [tilespmem:s15+$0x4670]  }
0x87: {  	[tilespmem:s15+$0x4610] =	vst v6;
	v3 =	vadd.f32 v3, v0  }
0x88: {  	[tilespmem:s15+$0x4620] =	vst v5;
	v1 =	vadd.f32 v1, v0  }
0x89: {  	[tilespmem:s15+$0x4630] =	vst v3;
	v2 =	vadd.f32 v2, v0  }
0x8a: {  	[tilespmem:s15+$0x4640] =	vst v1;
	v1 =	vadd.f32 v4, v0  }
0x8b: {  	[tilespmem:s15+$0x4650] =	vst v2;
	v0 =	vadd.f32 v7, v0  }
0x8c: {  	[tilespmem:s15+$0x4660] =	vst v1  }
0x8d: {  	[tilespmem:s15+$0x4670] =	vst v0  }
0x8e: {  	s15 =	simm.s32 $0x0;
	v0 =	vld [tilespmem:s14+$0x280]  }
0x8f: {  	v4 =	vld [tilespmem:s15+$0x4680]  }
0x90: {  	v6 =	vld [tilespmem:s15+$0x4690]  }
0x91: {  	v5 =	vld [tilespmem:s15+$0x46A0]  }
0x92: {  	v3 =	vld [tilespmem:s15+$0x46B0]  }
0x93: {  	v1 =	vld [tilespmem:s15+$0x46C0]  }
0x94: {  	v2 =	vld [tilespmem:s15+$0x46D0];
	v7 =	vadd.f32 v4, v0  }
0x95: {  	s16 =	simm.s32 $0x1000;
	v6 =	vadd.f32 v6, v0;
	v4 =	vld [tilespmem:s15+$0x46E0]  }
.LBB2_13:
0x96: {  	s17 =	sshra.s32 s16, $0x2;
	p0 =	sne.s32 s16, $0x1F000;
	[tilespmem:s15+$0x4680] =	vst v7;
	v5 =	vadd.f32 v5, v0;
	v7 =	vld [tilespmem:s15+$0x46F0]  }
0x97: {  	v8 =	vld [tilespmem:s17+$0x4680];
	[tilespmem:s15+$0x4690] =	vst v6;
	v3 =	vadd.f32 v3, v0  }
0x98: {  	v6 =	vld [tilespmem:s17+$0x4690];
	[tilespmem:s15+$0x46A0] =	vst v5;
	v1 =	vadd.f32 v1, v0  }
.Ltmp5:
0x99: {  	v5 =	vld [tilespmem:s17+$0x46A0];
	[tilespmem:s15+$0x46B0] =	vst v3;
	v2 =	vadd.f32 v2, v0;
	(pc) =	sbr.rel @p0 .LBB2_13-.Ltmp5, $4  }
0x9a: {  	v3 =	vld [tilespmem:s17+$0x46B0];
	[tilespmem:s15+$0x46C0] =	vst v1;
	v4 =	vadd.f32 v4, v0  }
0x9b: {  	v1 =	vld [tilespmem:s17+$0x46C0];
	[tilespmem:s15+$0x46D0] =	vst v2;
	v9 =	vadd.f32 v7, v0  }
0x9c: {  	v7 =	vadd.f32 v8, v0;
	v2 =	vld [tilespmem:s17+$0x46D0];
	[tilespmem:s15+$0x46E0] =	vst v4  }
0x9d: {  	s16 =	sadd.s32 $0x1000, s16;
	v6 =	vadd.f32 v6, v0;
	v4 =	vld [tilespmem:s17+$0x46E0];
	[tilespmem:s15+$0x46F0] =	vst v9;
	s15 =	smov.u32 s17  }
0x9e: {  	[tilespmem:s15+$0x4680] =	vst v7;
	v5 =	vadd.f32 v5, v0;
	v7 =	vld [tilespmem:s15+$0x46F0]  }
0x9f: {  	[tilespmem:s15+$0x4690] =	vst v6;
	v3 =	vadd.f32 v3, v0  }
0xa0: {  	[tilespmem:s15+$0x46A0] =	vst v5;
	v1 =	vadd.f32 v1, v0  }
0xa1: {  	[tilespmem:s15+$0x46B0] =	vst v3;
	v2 =	vadd.f32 v2, v0  }
0xa2: {  	[tilespmem:s15+$0x46C0] =	vst v1;
	v1 =	vadd.f32 v4, v0  }
0xa3: {  	[tilespmem:s15+$0x46D0] =	vst v2;
	v0 =	vadd.f32 v7, v0  }
0xa4: {  	[tilespmem:s15+$0x46E0] =	vst v1  }
0xa5: {  	[tilespmem:s15+$0x46F0] =	vst v0  }
0xa6: {  	s15 =	simm.s32 $0x0;
	v0 =	vld [tilespmem:s14+$0x300]  }
0xa7: {  	v4 =	vld [tilespmem:s15+$0x4700]  }
0xa8: {  	v6 =	vld [tilespmem:s15+$0x4710]  }
0xa9: {  	v5 =	vld [tilespmem:s15+$0x4720]  }
0xaa: {  	v3 =	vld [tilespmem:s15+$0x4730]  }
0xab: {  	v1 =	vld [tilespmem:s15+$0x4740]  }
0xac: {  	v2 =	vld [tilespmem:s15+$0x4750];
	v7 =	vadd.f32 v4, v0  }
0xad: {  	s16 =	simm.s32 $0x1000;
	v6 =	vadd.f32 v6, v0;
	v4 =	vld [tilespmem:s15+$0x4760]  }
.LBB2_15:
0xae: {  	s17 =	sshra.s32 s16, $0x2;
	p0 =	sne.s32 s16, $0x1F000;
	[tilespmem:s15+$0x4700] =	vst v7;
	v5 =	vadd.f32 v5, v0;
	v7 =	vld [tilespmem:s15+$0x4770]  }
0xaf: {  	v8 =	vld [tilespmem:s17+$0x4700];
	[tilespmem:s15+$0x4710] =	vst v6;
	v3 =	vadd.f32 v3, v0  }
0xb0: {  	v6 =	vld [tilespmem:s17+$0x4710];
	[tilespmem:s15+$0x4720] =	vst v5;
	v1 =	vadd.f32 v1, v0  }
.Ltmp6:
0xb1: {  	v5 =	vld [tilespmem:s17+$0x4720];
	[tilespmem:s15+$0x4730] =	vst v3;
	v2 =	vadd.f32 v2, v0;
	(pc) =	sbr.rel @p0 .LBB2_15-.Ltmp6, $4  }
0xb2: {  	v3 =	vld [tilespmem:s17+$0x4730];
	[tilespmem:s15+$0x4740] =	vst v1;
	v4 =	vadd.f32 v4, v0  }
0xb3: {  	v1 =	vld [tilespmem:s17+$0x4740];
	[tilespmem:s15+$0x4750] =	vst v2;
	v9 =	vadd.f32 v7, v0  }
0xb4: {  	v7 =	vadd.f32 v8, v0;
	v2 =	vld [tilespmem:s17+$0x4750];
	[tilespmem:s15+$0x4760] =	vst v4  }
0xb5: {  	s16 =	sadd.s32 $0x1000, s16;
	v6 =	vadd.f32 v6, v0;
	v4 =	vld [tilespmem:s17+$0x4760];
	[tilespmem:s15+$0x4770] =	vst v9;
	s15 =	smov.u32 s17  }
0xb6: {  	[tilespmem:s15+$0x4700] =	vst v7;
	v5 =	vadd.f32 v5, v0;
	v7 =	vld [tilespmem:s15+$0x4770]  }
0xb7: {  	[tilespmem:s15+$0x4710] =	vst v6;
	v3 =	vadd.f32 v3, v0  }
0xb8: {  	[tilespmem:s15+$0x4720] =	vst v5;
	v1 =	vadd.f32 v1, v0  }
0xb9: {  	[tilespmem:s15+$0x4730] =	vst v3;
	v2 =	vadd.f32 v2, v0  }
0xba: {  	[tilespmem:s15+$0x4740] =	vst v1;
	v1 =	vadd.f32 v4, v0  }
0xbb: {  	[tilespmem:s15+$0x4750] =	vst v2;
	v0 =	vadd.f32 v7, v0  }
0xbc: {  	[tilespmem:s15+$0x4760] =	vst v1  }
0xbd: {  	[tilespmem:s15+$0x4770] =	vst v0  }
0xbe: {  	v0 =	vld [tilespmem:s14+$0x380];
	s14 =	simm.s32 $0x0  }
0xbf: {  	v4 =	vld [tilespmem:s14+$0x4780]  }
0xc0: {  	v6 =	vld [tilespmem:s14+$0x4790]  }
0xc1: {  	v5 =	vld [tilespmem:s14+$0x47A0]  }
0xc2: {  	v3 =	vld [tilespmem:s14+$0x47B0]  }
0xc3: {  	v1 =	vld [tilespmem:s14+$0x47C0]  }
0xc4: {  	v2 =	vld [tilespmem:s14+$0x47D0];
	v7 =	vadd.f32 v4, v0  }
0xc5: {  	s15 =	simm.s32 $0x1000;
	v6 =	vadd.f32 v6, v0;
	v4 =	vld [tilespmem:s14+$0x47E0]  }
.LBB2_17:
0xc6: {  	s16 =	sshra.s32 s15, $0x2;
	p0 =	sne.s32 s15, $0x1F000;
	[tilespmem:s14+$0x4780] =	vst v7;
	v5 =	vadd.f32 v5, v0;
	v7 =	vld [tilespmem:s14+$0x47F0]  }
0xc7: {  	v8 =	vld [tilespmem:s16+$0x4780];
	[tilespmem:s14+$0x4790] =	vst v6;
	v3 =	vadd.f32 v3, v0  }
0xc8: {  	v6 =	vld [tilespmem:s16+$0x4790];
	[tilespmem:s14+$0x47A0] =	vst v5;
	v1 =	vadd.f32 v1, v0  }
.Ltmp7:
0xc9: {  	v5 =	vld [tilespmem:s16+$0x47A0];
	[tilespmem:s14+$0x47B0] =	vst v3;
	v2 =	vadd.f32 v2, v0;
	(pc) =	sbr.rel @p0 .LBB2_17-.Ltmp7, $4  }
0xca: {  	v3 =	vld [tilespmem:s16+$0x47B0];
	[tilespmem:s14+$0x47C0] =	vst v1;
	v4 =	vadd.f32 v4, v0  }
0xcb: {  	v1 =	vld [tilespmem:s16+$0x47C0];
	[tilespmem:s14+$0x47D0] =	vst v2;
	v9 =	vadd.f32 v7, v0  }
0xcc: {  	v7 =	vadd.f32 v8, v0;
	v2 =	vld [tilespmem:s16+$0x47D0];
	[tilespmem:s14+$0x47E0] =	vst v4  }
0xcd: {  	s15 =	sadd.s32 $0x1000, s15;
	v6 =	vadd.f32 v6, v0;
	v4 =	vld [tilespmem:s16+$0x47E0];
	[tilespmem:s14+$0x47F0] =	vst v9;
	s14 =	smov.u32 s16  }
0xce: {  	[tilespmem:s14+$0x4780] =	vst v7;
	v5 =	vadd.f32 v5, v0;
	v61 =	vld [tilespmem:s14+$0x47F0]  }
0xcf: {  	[tilespmem:s14+$0x4790] =	vst v6;
	v3 =	vadd.f32 v3, v0  }
0xd0: {  	[tilespmem:s14+$0x47A0] =	vst v5;
	v1 =	vadd.f32 v1, v0  }
0xd1: {  	[tilespmem:s14+$0x47B0] =	vst v3;
	v2 =	vadd.f32 v2, v0  }
0xd2: {  	[tilespmem:s14+$0x47C0] =	vst v1;
	v62 =	vadd.f32 v4, v0  }
0xd3: {  	s13 =	sadd.s32 s3, s13;
	s12 =	sadd.s32 $0x1, s12;
	[tilespmem:s14+$0x47D0] =	vst v2;
	v63 =	vadd.f32 v61, v0  }
0xd4: {  	s13 =	sshll.u32 s13, $0x9;
	p0 =	sne.s32 s12, $0x11;
	[tilespmem:s14+$0x47E0] =	vst v62  }
.Ltmp8:
0xd5: {  	s13 =	sadd.s32 s6, s13;
	[tilespmem:s14+$0x47F0] =	vst v63;
	(pc) =	sbr.rel @p0 .LBB2_2-.Ltmp8, $4  }
0xd6: {  	[hbm4b:s13+s4] =	stream.linear.scatter [tilespmem:s10], [sflag:$0x1], $0x8000, $0x38;
	[tilespmem:$0xC400] =	vst v63  }
0xd7: {  	_ =	swait.ge [sflag:s9], $0x8000  }
0xd8: {  	[sflag:s9] =	ssyncset.done $0x0  }
0xd9: {  	[sflag:s9] =	ssyncadd.s32 $0xFFFF8000  }
0xda: {  	s11 =	sadd.s32 $0x1, s11  }
0xdb: {  	p0 =	sne.s32 s11, s8  }
.Ltmp9:
0xdc: {  	_ = 	snop;
	(pc) =	sbr.rel @p0 .LBB2_1-.Ltmp9, $1  }
0xdd: {  	_ =	sdelay $0x3  }
0xde: {  	_ =	sfence.sel $0x180000  }
0xdf: {  	[bflag:$0x0] =	sbarrier.arrive $0xFFFF  }
0xe0: {  	p0 =	sne.s32 s0, $0x0;
	_ =	strace $0x90000047  }
0xe1: {  	s0 =	sadd.s32 @!p0 $0x100000, s1;
	[bflag:$0x2] =	sbarrier.arrive $0xFFFF  }
0xe2: {  	[sflag:s0] =	ssyncadd.tile.s32 @!p0 $0x1;
	_ =	shalt  }
.Lfunc_end2:
_tile_overlayer_lowered:
.L_overlay_start_2:
0xe3: {  	(tag) =	ssettag $0x2  }
0xe4: {  	s0 =	rddreg [dreg:$0x0];
	s2 =	stileid.u32  }
0xe5: {  	s1 =	rddreg [dreg:$0x1];
	p0 =	sne.s32 s2, $0x0  }
0xe6: {  	s3 =	rddreg [dreg:$0x2];
	[bflag:$0x3] =	sbarrier.arrive $0xFFFF;
	s2 =	simm.s32 @!p0 $0x1C01  }
0xe7: {  	[timem:s3], [sflag:s2] =	dma.local @!p0 [hbm:s0], s1  }
0xe8: {  	s0 =	simm.s32 @!p0 $0x1  }
0xe9: {  	_ =	swait.ge @!p0 [sflag:s0], s1  }
0xea: {  	s1 =	ssub.s32 @!p0 $0x0, s1;
	[sflag:s0] =	ssyncset.done @!p0 $0x0  }
0xeb: {  	[sflag:s0] =	ssyncadd.s32 @!p0 s1  }
0xec: {  	[bflag:$0x3] =	sbarrier.arrive $0xFFFF  }
0xed: {  	_ =	shalt  }

</sc_bundles>
